<compile_context>
chip_gen: v7x
topology: tpu7x:2x2x1
jax: 0.10.2.dev20260603
libtpu: 0.0.44.dev20260713+nightly
codegen_flags: <defaults>
</compile_context>

<pallas_src>
import functools
import math

import jax
import jax.numpy as jnp
import numpy as np
from jax import lax
from jax.experimental import pallas as pl
from jax.experimental.pallas import tpu as pltpu
from jax.experimental.pallas import tpu_sc as plsc

_NC = 2
_NS = 16
_NW = _NC * _NS


def _sc_gather(table, idx_flat):
    B = idx_flat.shape[0]
    _, D = table.shape
    b_per_w = B // _NW
    CH = 32
    n_ch = b_per_w // CH
    mesh = plsc.VectorSubcoreMesh(core_axis_name="c", subcore_axis_name="s")

    NBUF = 3

    @functools.partial(
        pl.kernel,
        out_type=jax.ShapeDtypeStruct((B, D), jnp.float32),
        mesh=mesh,
        scratch_types=[
            pltpu.VMEM((b_per_w,), jnp.int32),
            pltpu.VMEM((NBUF, CH, D), jnp.float32),
            pltpu.SemaphoreType.DMA((NBUF,)),
            pltpu.SemaphoreType.DMA((NBUF,)),
        ],
    )
    def k(table_hbm, idx_hbm, out_hbm, idx_v, rows_v, gsem, psem):
        wid = lax.axis_index("s") * _NC + lax.axis_index("c")
        base = wid * b_per_w
        pltpu.sync_copy(idx_hbm.at[pl.ds(base, b_per_w)], idx_v)

        def gather(c, buf):
            return pltpu.async_copy(
                table_hbm.at[idx_v.at[pl.ds(c * CH, CH)]],
                rows_v.at[buf], gsem.at[buf])

        def put(c, buf):
            return pltpu.async_copy(
                rows_v.at[buf], out_hbm.at[pl.ds(base + c * CH, CH)],
                psem.at[buf])

        gets = [None] * NBUF
        puts = [None] * NBUF
        for c in range(min(NBUF, n_ch)):
            gets[c] = gather(c, c)
        for c in range(n_ch):
            buf = c % NBUF
            gets[buf].wait()
            puts[buf] = put(c, buf)
            nc = c + NBUF
            if nc < n_ch:
                puts[buf].wait()
                gets[buf] = gather(nc, buf)
        for c in range(max(0, n_ch - NBUF), n_ch):
            puts[c % NBUF].wait()

    return k(table, idx_flat)


def _time_mlp(t, W1, b1, W2, b2):
    D = W1.shape[0]
    H = W1.shape[1]
    half = D // 2
    n = t.shape[0]
    tp = jnp.pad(t, (0, 8 - n)).reshape(8, 1)
    freqs = jnp.asarray(np.exp(
        np.arange(half, dtype=np.float32) * (-math.log(10000.0) / half)
    ).reshape(1, half))

    KB = 1024
    nk = H // KB

    def body(t_ref, f_ref, W1_ref, b1_ref, W2_ref, b2_ref, o_ref):
        k = pl.program_id(0)
        args = (t_ref[...] * 1000.0) * f_ref[...]
        c = jnp.cos(args)
        s = jnp.sin(args)
        x = (c @ W1_ref[:half, :] + s @ W1_ref[half:, :]) + b1_ref[...]
        g = 0.5 * x * (1.0 + lax.erf(x * (1.0 / math.sqrt(2.0))))
        part = g @ W2_ref[...]

        @pl.when(k == 0)
        def _():
            o_ref[...] = part + b2_ref[...]

        @pl.when(k != 0)
        def _():
            o_ref[...] += part

    out = pl.pallas_call(
        body,
        grid=(nk,),
        in_specs=[
            pl.BlockSpec((8, 1), lambda k: (0, 0)),
            pl.BlockSpec((1, half), lambda k: (0, 0)),
            pl.BlockSpec((D, KB), lambda k: (0, k)),
            pl.BlockSpec((1, KB), lambda k: (0, k)),
            pl.BlockSpec((KB, D), lambda k: (k, 0)),
            pl.BlockSpec((1, D), lambda k: (0, 0)),
        ],
        out_specs=pl.BlockSpec((8, D), lambda k: (0, 0)),
        out_shape=jax.ShapeDtypeStruct((8, D), jnp.float32),
    )(tp, freqs, W1, b1.reshape(1, H), W2, b2.reshape(1, D))
    return out


def _fused_add_ln(g, pe, temb2, gamma, beta, scale):
    B, D = g.shape
    S = pe.shape[0]
    RB = 1024
    nb = B // RB
    per_batch = S // RB

    n_batch = nb // per_batch

    def body(g_ref, pe_ref, te_ref, ga_ref, be_ref, o_ref):
        e = g_ref[...] * scale + pe_ref[...].astype(jnp.float32) + te_ref[0]
        mu = jnp.mean(e, axis=1, keepdims=True)
        ec = e - mu
        var = jnp.mean(ec * ec, axis=1, keepdims=True)
        o_ref[...] = ec * lax.rsqrt(var + 1e-5) * ga_ref[...] + be_ref[...]

    return pl.pallas_call(
        body,
        grid=(per_batch, n_batch),
        in_specs=[
            pl.BlockSpec((RB, D), lambda i, j: (j * per_batch + i, 0)),
            pl.BlockSpec((RB, D), lambda i, j: (i, 0)),
            pl.BlockSpec((1, 1, D), lambda i, j: (j, 0, 0)),
            pl.BlockSpec((1, D), lambda i, j: (0, 0)),
            pl.BlockSpec((1, D), lambda i, j: (0, 0)),
        ],
        out_specs=pl.BlockSpec((RB, D), lambda i, j: (j * per_batch + i, 0)),
        out_shape=jax.ShapeDtypeStruct((B, D), jnp.float32),
    )(g, pe, temb2.reshape(-1, 1, D), gamma.reshape(1, D), beta.reshape(1, D))


def _make_pe(max_len, d_model):
    position = np.arange(max_len, dtype=np.float32)[:, None]
    div_term = np.exp(np.arange(0, d_model, 2, dtype=np.float32)
                      * (-np.log(10000.0) / d_model))
    pe = np.zeros((max_len, d_model), dtype=np.float32)
    pe[:, 0::2] = np.sin(position * div_term)
    pe[:, 1::2] = np.cos(position * div_term)
    return jnp.asarray(pe).astype(jnp.bfloat16)


def kernel(x, t, table, W1, b1, W2, b2, gamma, beta):
    Bt, S = x.shape
    _, D = table.shape
    scale = math.sqrt(float(D))
    pe = _make_pe(S, D)

    g = _sc_gather(table, x.reshape(-1))
    temb2 = _time_mlp(t, W1, b1, W2, b2)
    out = _fused_add_ln(g, pe, temb2, gamma, beta, scale)
    return out.reshape(Bt, S, D)

# --- scband reference (transcript-rebuilt; emitter-appended) ---
"""Pipeline reference for scband-token-embedding-3375844294923 (READ-ONLY COPY).

The authoritative reference and input builder live on the scoring server;
editing this copy changes nothing except your own understanding.
"""

import jax, jax.numpy as jnp
import numpy as np

VOCAB = 100000
D_MODEL = 1024
MAX_LEN = 2048


def _make_pe(max_len, d_model):
    position = jnp.arange(max_len, dtype=jnp.float32)[:, None]
    div_term = jnp.exp(jnp.arange(0, d_model, 2, dtype=jnp.float32) * (-np.log(10000.0) / d_model))
    pe = jnp.zeros((max_len, d_model), dtype=jnp.float32)
    pe = pe.at[:, 0::2].set(jnp.sin(position * div_term))
    pe = pe.at[:, 1::2].set(jnp.cos(position * div_term))
    return pe


def setup_inputs(seed: int = 0):
    key = jax.random.key(seed)
    ks = jax.random.split(key, 8)
    x = jax.random.randint(ks[0], (4, 2048), 0, VOCAB, dtype=jnp.int32)
    t = jax.random.uniform(ks[1], (4,), dtype=jnp.float32)
    table = jax.random.normal(ks[2], (VOCAB, D_MODEL), dtype=jnp.float32) * 0.02
    W1 = jax.random.normal(ks[3], (D_MODEL, 4 * D_MODEL), dtype=jnp.float32) * 0.02
    b1 = jnp.zeros((4 * D_MODEL,), dtype=jnp.float32)
    W2 = jax.random.normal(ks[4], (4 * D_MODEL, D_MODEL), dtype=jnp.float32) * 0.02
    b2 = jnp.zeros((D_MODEL,), dtype=jnp.float32)
    gamma = jnp.ones((D_MODEL,), dtype=jnp.float32)
    beta = jnp.zeros((D_MODEL,), dtype=jnp.float32)
    return {"x": x, "t": t, "table": table, "W1": W1, "b1": b1, "W2": W2, "b2": b2, "gamma": gamma, "beta": beta}


def reference(x, t, table, W1, b1, W2, b2, gamma, beta):
    d_model = table.shape[1]
    scale = jnp.sqrt(jnp.float32(d_model))
    # token embedding lookup (gather)
    emb = jnp.take(table, x, axis=0) * scale
    # sinusoidal positional embedding
    pe = _make_pe(MAX_LEN, d_model)
    emb = emb + pe[None, :x.shape[1], :]
    # time embedding (sinusoidal + MLP)
    tt = t * 1000.0
    half = d_model // 2
    freqs = jnp.exp(-np.log(10000.0) * jnp.arange(half, dtype=jnp.float32) / half)
    args = tt[:, None] * freqs[None, :]
    temb = jnp.concatenate([jnp.cos(args), jnp.sin(args)], axis=-1)
    h = jax.nn.gelu(temb @ W1 + b1, approximate=False)
    temb = h @ W2 + b2
    emb = emb + temb[:, None, :]
    # layernorm (eps=1e-5)
    mean = jnp.mean(emb, axis=-1, keepdims=True)
    var = jnp.var(emb, axis=-1, keepdims=True)
    emb = (emb - mean) / jnp.sqrt(var + 1e-5) * gamma + beta
    return emb

if __name__ == "__main__":
    import jax
    _d = setup_inputs()
    print(jax.jit(kernel)(*tuple(_d.values())))

</pallas_src>

<mosaic_0001>
#map = affine_map<(d0, d1) -> (0, 0)>
#map1 = affine_map<(d0, d1) -> (0)>
module attributes {stable_mosaic.version = 14 : i64} {
  func.func @k(%arg0: i32, %arg1: i32, %arg2: memref<100000x1024xf32, #tpu.memory_space<hbm>>, %arg3: memref<8192xi32, #tpu.memory_space<hbm>>, %arg4: memref<8192x1024xf32, #tpu.memory_space<hbm>>, %arg5: memref<256xi32, #tpu.memory_space<vmem>>, %arg6: memref<3x32x1024xf32, #tpu.memory_space<vmem>>, %arg7: memref<3x!tpu.dma_semaphore, #tpu.memory_space<semaphore_mem>>, %arg8: memref<3x!tpu.dma_semaphore, #tpu.memory_space<semaphore_mem>>) attributes {dimension_semantics = [#tpu.dimension_semantics<core_parallel>, #tpu.dimension_semantics<subcore_parallel>], iteration_bounds = array<i64: 2, 16>, scalar_prefetch = 0 : i64, scratch_operands = 4 : i64, tpu.core_type = #tpu.core_type<sc_vector_subcore>, window_params = [{transform_indices = #map}, {transform_indices = #map1}, {transform_indices = #map}]} {
    %mul3A = arith.constant 2 : i32
    %mul3A_0 = arith.muli %arg1, %mul3A : i32
    %add3A = arith.addi %mul3A_0, %arg0 : i32
    %mul3A_1 = arith.constant 256 : i32
    %mul3A_2 = arith.muli %add3A, %mul3A_1 : i32
    "tpu.region"() ({
      %run_scoped3A = tpu.sem_alloc : memref<!tpu.dma_semaphore, #tpu.memory_space<semaphore_mem>>
      %dma_start3A_481 = tpu.memref_slice %arg3[%mul3A_2] : memref<8192xi32, #tpu.memory_space<hbm>> -> memref<256xi32, #tpu.memory_space<hbm>>
      %dma_start3A_482 = tpu.memref_slice %arg3[%mul3A_2] : memref<8192xi32, #tpu.memory_space<hbm>> -> memref<256xi32, #tpu.memory_space<hbm>>
      tpu.enqueue_dma source(%dma_start3A_482 : memref<256xi32, #tpu.memory_space<hbm>>) target(%arg5 : memref<256xi32, #tpu.memory_space<vmem>>) target_semaphore(%run_scoped3A : memref<!tpu.dma_semaphore, #tpu.memory_space<semaphore_mem>>)
      %dma_wait3A_483 = tpu.memref_slice %arg3[%mul3A_2] : memref<8192xi32, #tpu.memory_space<hbm>> -> memref<256xi32, #tpu.memory_space<hbm>>
      %dma_wait3A_484 = tpu.memref_slice %arg3[%mul3A_2] : memref<8192xi32, #tpu.memory_space<hbm>> -> memref<256xi32, #tpu.memory_space<hbm>>
      tpu.wait_dma2 semaphore(%run_scoped3A : memref<!tpu.dma_semaphore, #tpu.memory_space<semaphore_mem>>) src(%dma_wait3A_484 : memref<256xi32, #tpu.memory_space<hbm>>) dst(%arg5 : memref<256xi32, #tpu.memory_space<vmem>>)
      tpu.yield
    }) : () -> ()
    %dma_start3A = arith.constant 0 : i32
    %dma_start3A_3 = arith.constant 0 : i32
    %dma_start3A_4 = arith.constant 0 : i32
    %dma_start3A_5 = arith.constant 0 : i32
    %dma_start3A_6 = tpu.memref_slice %arg6[%dma_start3A, %dma_start3A_4, %dma_start3A_5] : memref<3x32x1024xf32, #tpu.memory_space<vmem>> -> memref<1x32x1024xf32, #tpu.memory_space<vmem>>
    %dma_start3A_7 = tpu.memref_squeeze %dma_start3A_6 : memref<1x32x1024xf32, #tpu.memory_space<vmem>> -> memref<32x1024xf32, #tpu.memory_space<vmem>>
    %dma_start3A_8 = arith.constant 0 : i32
    %dma_start3A_9 = tpu.memref_slice %arg5[%dma_start3A_8] : memref<256xi32, #tpu.memory_space<vmem>> -> memref<32xi32, #tpu.memory_space<vmem>>
    %dma_start3A_10 = arith.constant 0 : i32
    %dma_start3A_11 = arith.constant 0 : i32
    %dma_start3A_12 = tpu.memref_slice %arg2[%dma_start3A_10, %dma_start3A_11] : memref<100000x1024xf32, #tpu.memory_space<hbm>> -> memref<100000x1024xf32, #tpu.memory_space<hbm>>
    %dma_start3A_13 = tpu.memref_slice %arg7[%dma_start3A_3] : memref<3x!tpu.dma_semaphore, #tpu.memory_space<semaphore_mem>> -> memref<1x!tpu.dma_semaphore, #tpu.memory_space<semaphore_mem>>
    %dma_start3A_14 = tpu.memref_squeeze %dma_start3A_13 : memref<1x!tpu.dma_semaphore, #tpu.memory_space<semaphore_mem>> -> memref<!tpu.dma_semaphore, #tpu.memory_space<semaphore_mem>>
    tpu.enqueue_indirect_dma source(%dma_start3A_12 : memref<100000x1024xf32, #tpu.memory_space<hbm>>) target(%dma_start3A_7 : memref<32x1024xf32, #tpu.memory_space<vmem>>) offsets(%dma_start3A_9 : memref<32xi32, #tpu.memory_space<vmem>>) semaphore(%dma_start3A_14 : memref<!tpu.dma_semaphore, #tpu.memory_space<semaphore_mem>>)
    %dma_start3A_15 = arith.constant 1 : i32
    %dma_start3A_16 = arith.constant 1 : i32
    %dma_start3A_17 = arith.constant 0 : i32
    %dma_start3A_18 = arith.constant 0 : i32
    %dma_start3A_19 = tpu.memref_slice %arg6[%dma_start3A_15, %dma_start3A_17, %dma_start3A_18] : memref<3x32x1024xf32, #tpu.memory_space<vmem>> -> memref<1x32x1024xf32, #tpu.memory_space<vmem>>
    %dma_start3A_20 = tpu.memref_squeeze %dma_start3A_19 : memref<1x32x1024xf32, #tpu.memory_space<vmem>> -> memref<32x1024xf32, #tpu.memory_space<vmem>>
    %dma_start3A_21 = arith.constant 32 : i32
    %dma_start3A_22 = tpu.memref_slice %arg5[%dma_start3A_21] : memref<256xi32, #tpu.memory_space<vmem>> -> memref<32xi32, #tpu.memory_space<vmem>>
    %dma_start3A_23 = arith.constant 0 : i32
    %dma_start3A_24 = arith.constant 0 : i32
    %dma_start3A_25 = tpu.memref_slice %arg2[%dma_start3A_23, %dma_start3A_24] : memref<100000x1024xf32, #tpu.memory_space<hbm>> -> memref<100000x1024xf32, #tpu.memory_space<hbm>>
    %dma_start3A_26 = tpu.memref_slice %arg7[%dma_start3A_16] : memref<3x!tpu.dma_semaphore, #tpu.memory_space<semaphore_mem>> -> memref<1x!tpu.dma_semaphore, #tpu.memory_space<semaphore_mem>>
    %dma_start3A_27 = tpu.memref_squeeze %dma_start3A_26 : memref<1x!tpu.dma_semaphore, #tpu.memory_space<semaphore_mem>> -> memref<!tpu.dma_semaphore, #tpu.memory_space<semaphore_mem>>
    tpu.enqueue_indirect_dma source(%dma_start3A_25 : memref<100000x1024xf32, #tpu.memory_space<hbm>>) target(%dma_start3A_20 : memref<32x1024xf32, #tpu.memory_space<vmem>>) offsets(%dma_start3A_22 : memref<32xi32, #tpu.memory_space<vmem>>) semaphore(%dma_start3A_27 : memref<!tpu.dma_semaphore, #tpu.memory_space<semaphore_mem>>)
    %dma_start3A_28 = arith.constant 2 : i32
    %dma_start3A_29 = arith.constant 2 : i32
    %dma_start3A_30 = arith.constant 0 : i32
    %dma_start3A_31 = arith.constant 0 : i32
    %dma_start3A_32 = tpu.memref_slice %arg6[%dma_start3A_28, %dma_start3A_30, %dma_start3A_31] : memref<3x32x1024xf32, #tpu.memory_space<vmem>> -> memref<1x32x1024xf32, #tpu.memory_space<vmem>>
    %dma_start3A_33 = tpu.memref_squeeze %dma_start3A_32 : memref<1x32x1024xf32, #tpu.memory_space<vmem>> -> memref<32x1024xf32, #tpu.memory_space<vmem>>
    %dma_start3A_34 = arith.constant 64 : i32
    %dma_start3A_35 = tpu.memref_slice %arg5[%dma_start3A_34] : memref<256xi32, #tpu.memory_space<vmem>> -> memref<32xi32, #tpu.memory_space<vmem>>
    %dma_start3A_36 = arith.constant 0 : i32
    %dma_start3A_37 = arith.constant 0 : i32
    %dma_start3A_38 = tpu.memref_slice %arg2[%dma_start3A_36, %dma_start3A_37] : memref<100000x1024xf32, #tpu.memory_space<hbm>> -> memref<100000x1024xf32, #tpu.memory_space<hbm>>
    %dma_start3A_39 = tpu.memref_slice %arg7[%dma_start3A_29] : memref<3x!tpu.dma_semaphore, #tpu.memory_space<semaphore_mem>> -> memref<1x!tpu.dma_semaphore, #tpu.memory_space<semaphore_mem>>
    %dma_start3A_40 = tpu.memref_squeeze %dma_start3A_39 : memref<1x!tpu.dma_semaphore, #tpu.memory_space<semaphore_mem>> -> memref<!tpu.dma_semaphore, #tpu.memory_space<semaphore_mem>>
    tpu.enqueue_indirect_dma source(%dma_start3A_38 : memref<100000x1024xf32, #tpu.memory_space<hbm>>) target(%dma_start3A_33 : memref<32x1024xf32, #tpu.memory_space<vmem>>) offsets(%dma_start3A_35 : memref<32xi32, #tpu.memory_space<vmem>>) semaphore(%dma_start3A_40 : memref<!tpu.dma_semaphore, #tpu.memory_space<semaphore_mem>>)
    %dma_wait3A = arith.constant 0 : i32
    %dma_wait3A_41 = arith.constant 0 : i32
    %dma_wait3A_42 = arith.constant 0 : i32
    %dma_wait3A_43 = arith.constant 0 : i32
    %dma_wait3A_44 = tpu.memref_slice %arg6[%dma_wait3A, %dma_wait3A_42, %dma_wait3A_43] : memref<3x32x1024xf32, #tpu.memory_space<vmem>> -> memref<1x32x1024xf32, #tpu.memory_space<vmem>>
    %dma_wait3A_45 = tpu.memref_squeeze %dma_wait3A_44 : memref<1x32x1024xf32, #tpu.memory_space<vmem>> -> memref<32x1024xf32, #tpu.memory_space<vmem>>
    %dma_wait3A_46 = arith.constant 0 : i32
    %dma_wait3A_47 = tpu.memref_slice %arg5[%dma_wait3A_46] : memref<256xi32, #tpu.memory_space<vmem>> -> memref<32xi32, #tpu.memory_space<vmem>>
    %dma_wait3A_48 = arith.constant 0 : i32
    %dma_wait3A_49 = arith.constant 0 : i32
    %dma_wait3A_50 = tpu.memref_slice %arg2[%dma_wait3A_48, %dma_wait3A_49] : memref<100000x1024xf32, #tpu.memory_space<hbm>> -> memref<100000x1024xf32, #tpu.memory_space<hbm>>
    %dma_wait3A_51 = tpu.memref_slice %arg7[%dma_wait3A_41] : memref<3x!tpu.dma_semaphore, #tpu.memory_space<semaphore_mem>> -> memref<1x!tpu.dma_semaphore, #tpu.memory_space<semaphore_mem>>
    %dma_wait3A_52 = tpu.memref_squeeze %dma_wait3A_51 : memref<1x!tpu.dma_semaphore, #tpu.memory_space<semaphore_mem>> -> memref<!tpu.dma_semaphore, #tpu.memory_space<semaphore_mem>>
    tpu.wait_indirect_dma semaphore(%dma_wait3A_52 : memref<!tpu.dma_semaphore, #tpu.memory_space<semaphore_mem>>) src(%dma_wait3A_50 : memref<100000x1024xf32, #tpu.memory_space<hbm>>) dst(%dma_wait3A_45 : memref<32x1024xf32, #tpu.memory_space<vmem>>)
    %add3A_53 = arith.constant 0 : i32
    %add3A_54 = arith.addi %mul3A_2, %add3A_53 : i32
    %dma_start3A_55 = arith.constant 0 : i32
    %dma_start3A_56 = arith.constant 0 : i32
    %dma_start3A_57 = arith.constant 0 : i32
    %dma_start3A_58 = arith.constant 0 : i32
    %dma_start3A_59 = tpu.memref_slice %arg6[%dma_start3A_55, %dma_start3A_57, %dma_start3A_58] : memref<3x32x1024xf32, #tpu.memory_space<vmem>> -> memref<1x32x1024xf32, #tpu.memory_space<vmem>>
    %dma_start3A_60 = tpu.memref_squeeze %dma_start3A_59 : memref<1x32x1024xf32, #tpu.memory_space<vmem>> -> memref<32x1024xf32, #tpu.memory_space<vmem>>
    %dma_start3A_61 = arith.constant 0 : i32
    %dma_start3A_62 = tpu.memref_slice %arg4[%add3A_54, %dma_start3A_61] : memref<8192x1024xf32, #tpu.memory_space<hbm>> -> memref<32x1024xf32, #tpu.memory_space<hbm>>
    %dma_start3A_63 = tpu.memref_slice %arg8[%dma_start3A_56] : memref<3x!tpu.dma_semaphore, #tpu.memory_space<semaphore_mem>> -> memref<1x!tpu.dma_semaphore, #tpu.memory_space<semaphore_mem>>
    %dma_start3A_64 = tpu.memref_squeeze %dma_start3A_63 : memref<1x!tpu.dma_semaphore, #tpu.memory_space<semaphore_mem>> -> memref<!tpu.dma_semaphore, #tpu.memory_space<semaphore_mem>>
    %dma_start3A_65 = arith.constant 0 : i32
    %dma_start3A_66 = tpu.memref_slice %arg4[%add3A_54, %dma_start3A_65] : memref<8192x1024xf32, #tpu.memory_space<hbm>> -> memref<32x1024xf32, #tpu.memory_space<hbm>>
    %dma_start3A_67 = arith.constant 0 : i32
    %dma_start3A_68 = arith.constant 0 : i32
    %dma_start3A_69 = tpu.memref_slice %arg6[%dma_start3A_55, %dma_start3A_67, %dma_start3A_68] : memref<3x32x1024xf32, #tpu.memory_space<vmem>> -> memref<1x32x1024xf32, #tpu.memory_space<vmem>>
    %dma_start3A_70 = tpu.memref_squeeze %dma_start3A_69 : memref<1x32x1024xf32, #tpu.memory_space<vmem>> -> memref<32x1024xf32, #tpu.memory_space<vmem>>
    tpu.enqueue_dma source(%dma_start3A_70 : memref<32x1024xf32, #tpu.memory_space<vmem>>) target(%dma_start3A_66 : memref<32x1024xf32, #tpu.memory_space<hbm>>) target_semaphore(%dma_start3A_64 : memref<!tpu.dma_semaphore, #tpu.memory_space<semaphore_mem>>)
    %dma_wait3A_71 = arith.constant 0 : i32
    %dma_wait3A_72 = arith.constant 0 : i32
    %dma_wait3A_73 = arith.constant 0 : i32
    %dma_wait3A_74 = arith.constant 0 : i32
    %dma_wait3A_75 = tpu.memref_slice %arg6[%dma_wait3A_71, %dma_wait3A_73, %dma_wait3A_74] : memref<3x32x1024xf32, #tpu.memory_space<vmem>> -> memref<1x32x1024xf32, #tpu.memory_space<vmem>>
    %dma_wait3A_76 = tpu.memref_squeeze %dma_wait3A_75 : memref<1x32x1024xf32, #tpu.memory_space<vmem>> -> memref<32x1024xf32, #tpu.memory_space<vmem>>
    %dma_wait3A_77 = arith.constant 0 : i32
    %dma_wait3A_78 = tpu.memref_slice %arg4[%add3A_54, %dma_wait3A_77] : memref<8192x1024xf32, #tpu.memory_space<hbm>> -> memref<32x1024xf32, #tpu.memory_space<hbm>>
    %dma_wait3A_79 = tpu.memref_slice %arg8[%dma_wait3A_72] : memref<3x!tpu.dma_semaphore, #tpu.memory_space<semaphore_mem>> -> memref<1x!tpu.dma_semaphore, #tpu.memory_space<semaphore_mem>>
    %dma_wait3A_80 = tpu.memref_squeeze %dma_wait3A_79 : memref<1x!tpu.dma_semaphore, #tpu.memory_space<semaphore_mem>> -> memref<!tpu.dma_semaphore, #tpu.memory_space<semaphore_mem>>
    %dma_wait3A_81 = arith.constant 0 : i32
    %dma_wait3A_82 = tpu.memref_slice %arg4[%add3A_54, %dma_wait3A_81] : memref<8192x1024xf32, #tpu.memory_space<hbm>> -> memref<32x1024xf32, #tpu.memory_space<hbm>>
    %dma_wait3A_83 = arith.constant 0 : i32
    %dma_wait3A_84 = arith.constant 0 : i32
    %dma_wait3A_85 = tpu.memref_slice %arg6[%dma_wait3A_71, %dma_wait3A_83, %dma_wait3A_84] : memref<3x32x1024xf32, #tpu.memory_space<vmem>> -> memref<1x32x1024xf32, #tpu.memory_space<vmem>>
    %dma_wait3A_86 = tpu.memref_squeeze %dma_wait3A_85 : memref<1x32x1024xf32, #tpu.memory_space<vmem>> -> memref<32x1024xf32, #tpu.memory_space<vmem>>
    tpu.wait_dma2 semaphore(%dma_wait3A_80 : memref<!tpu.dma_semaphore, #tpu.memory_space<semaphore_mem>>) src(%dma_wait3A_86 : memref<32x1024xf32, #tpu.memory_space<vmem>>) dst(%dma_wait3A_82 : memref<32x1024xf32, #tpu.memory_space<hbm>>)
    %dma_start3A_87 = arith.constant 0 : i32
    %dma_start3A_88 = arith.constant 0 : i32
    %dma_start3A_89 = arith.constant 0 : i32
    %dma_start3A_90 = arith.constant 0 : i32
    %dma_start3A_91 = tpu.memref_slice %arg6[%dma_start3A_87, %dma_start3A_89, %dma_start3A_90] : memref<3x32x1024xf32, #tpu.memory_space<vmem>> -> memref<1x32x1024xf32, #tpu.memory_space<vmem>>
    %dma_start3A_92 = tpu.memref_squeeze %dma_start3A_91 : memref<1x32x1024xf32, #tpu.memory_space<vmem>> -> memref<32x1024xf32, #tpu.memory_space<vmem>>
    %dma_start3A_93 = arith.constant 96 : i32
    %dma_start3A_94 = tpu.memref_slice %arg5[%dma_start3A_93] : memref<256xi32, #tpu.memory_space<vmem>> -> memref<32xi32, #tpu.memory_space<vmem>>
    %dma_start3A_95 = arith.constant 0 : i32
    %dma_start3A_96 = arith.constant 0 : i32
    %dma_start3A_97 = tpu.memref_slice %arg2[%dma_start3A_95, %dma_start3A_96] : memref<100000x1024xf32, #tpu.memory_space<hbm>> -> memref<100000x1024xf32, #tpu.memory_space<hbm>>
    %dma_start3A_98 = tpu.memref_slice %arg7[%dma_start3A_88] : memref<3x!tpu.dma_semaphore, #tpu.memory_space<semaphore_mem>> -> memref<1x!tpu.dma_semaphore, #tpu.memory_space<semaphore_mem>>
    %dma_start3A_99 = tpu.memref_squeeze %dma_start3A_98 : memref<1x!tpu.dma_semaphore, #tpu.memory_space<semaphore_mem>> -> memref<!tpu.dma_semaphore, #tpu.memory_space<semaphore_mem>>
    tpu.enqueue_indirect_dma source(%dma_start3A_97 : memref<100000x1024xf32, #tpu.memory_space<hbm>>) target(%dma_start3A_92 : memref<32x1024xf32, #tpu.memory_space<vmem>>) offsets(%dma_start3A_94 : memref<32xi32, #tpu.memory_space<vmem>>) semaphore(%dma_start3A_99 : memref<!tpu.dma_semaphore, #tpu.memory_space<semaphore_mem>>)
    %dma_wait3A_100 = arith.constant 1 : i32
    %dma_wait3A_101 = arith.constant 1 : i32
    %dma_wait3A_102 = arith.constant 0 : i32
    %dma_wait3A_103 = arith.constant 0 : i32
    %dma_wait3A_104 = tpu.memref_slice %arg6[%dma_wait3A_100, %dma_wait3A_102, %dma_wait3A_103] : memref<3x32x1024xf32, #tpu.memory_space<vmem>> -> memref<1x32x1024xf32, #tpu.memory_space<vmem>>
    %dma_wait3A_105 = tpu.memref_squeeze %dma_wait3A_104 : memref<1x32x1024xf32, #tpu.memory_space<vmem>> -> memref<32x1024xf32, #tpu.memory_space<vmem>>
    %dma_wait3A_106 = arith.constant 32 : i32
    %dma_wait3A_107 = tpu.memref_slice %arg5[%dma_wait3A_106] : memref<256xi32, #tpu.memory_space<vmem>> -> memref<32xi32, #tpu.memory_space<vmem>>
    %dma_wait3A_108 = arith.constant 0 : i32
    %dma_wait3A_109 = arith.constant 0 : i32
    %dma_wait3A_110 = tpu.memref_slice %arg2[%dma_wait3A_108, %dma_wait3A_109] : memref<100000x1024xf32, #tpu.memory_space<hbm>> -> memref<100000x1024xf32, #tpu.memory_space<hbm>>
    %dma_wait3A_111 = tpu.memref_slice %arg7[%dma_wait3A_101] : memref<3x!tpu.dma_semaphore, #tpu.memory_space<semaphore_mem>> -> memref<1x!tpu.dma_semaphore, #tpu.memory_space<semaphore_mem>>
    %dma_wait3A_112 = tpu.memref_squeeze %dma_wait3A_111 : memref<1x!tpu.dma_semaphore, #tpu.memory_space<semaphore_mem>> -> memref<!tpu.dma_semaphore, #tpu.memory_space<semaphore_mem>>
    tpu.wait_indirect_dma semaphore(%dma_wait3A_112 : memref<!tpu.dma_semaphore, #tpu.memory_space<semaphore_mem>>) src(%dma_wait3A_110 : memref<100000x1024xf32, #tpu.memory_space<hbm>>) dst(%dma_wait3A_105 : memref<32x1024xf32, #tpu.memory_space<vmem>>)
    %add3A_113 = arith.constant 32 : i32
    %add3A_114 = arith.addi %mul3A_2, %add3A_113 : i32
    %dma_start3A_115 = arith.constant 1 : i32
    %dma_start3A_116 = arith.constant 1 : i32
    %dma_start3A_117 = arith.constant 0 : i32
    %dma_start3A_118 = arith.constant 0 : i32
    %dma_start3A_119 = tpu.memref_slice %arg6[%dma_start3A_115, %dma_start3A_117, %dma_start3A_118] : memref<3x32x1024xf32, #tpu.memory_space<vmem>> -> memref<1x32x1024xf32, #tpu.memory_space<vmem>>
    %dma_start3A_120 = tpu.memref_squeeze %dma_start3A_119 : memref<1x32x1024xf32, #tpu.memory_space<vmem>> -> memref<32x1024xf32, #tpu.memory_space<vmem>>
    %dma_start3A_121 = arith.constant 0 : i32
    %dma_start3A_122 = tpu.memref_slice %arg4[%add3A_114, %dma_start3A_121] : memref<8192x1024xf32, #tpu.memory_space<hbm>> -> memref<32x1024xf32, #tpu.memory_space<hbm>>
    %dma_start3A_123 = tpu.memref_slice %arg8[%dma_start3A_116] : memref<3x!tpu.dma_semaphore, #tpu.memory_space<semaphore_mem>> -> memref<1x!tpu.dma_semaphore, #tpu.memory_space<semaphore_mem>>
    %dma_start3A_124 = tpu.memref_squeeze %dma_start3A_123 : memref<1x!tpu.dma_semaphore, #tpu.memory_space<semaphore_mem>> -> memref<!tpu.dma_semaphore, #tpu.memory_space<semaphore_mem>>
    %dma_start3A_125 = arith.constant 0 : i32
    %dma_start3A_126 = tpu.memref_slice %arg4[%add3A_114, %dma_start3A_125] : memref<8192x1024xf32, #tpu.memory_space<hbm>> -> memref<32x1024xf32, #tpu.memory_space<hbm>>
    %dma_start3A_127 = arith.constant 0 : i32
    %dma_start3A_128 = arith.constant 0 : i32
    %dma_start3A_129 = tpu.memref_slice %arg6[%dma_start3A_115, %dma_start3A_127, %dma_start3A_128] : memref<3x32x1024xf32, #tpu.memory_space<vmem>> -> memref<1x32x1024xf32, #tpu.memory_space<vmem>>
    %dma_start3A_130 = tpu.memref_squeeze %dma_start3A_129 : memref<1x32x1024xf32, #tpu.memory_space<vmem>> -> memref<32x1024xf32, #tpu.memory_space<vmem>>
    tpu.enqueue_dma source(%dma_start3A_130 : memref<32x1024xf32, #tpu.memory_space<vmem>>) target(%dma_start3A_126 : memref<32x1024xf32, #tpu.memory_space<hbm>>) target_semaphore(%dma_start3A_124 : memref<!tpu.dma_semaphore, #tpu.memory_space<semaphore_mem>>)
    %dma_wait3A_131 = arith.constant 1 : i32
    %dma_wait3A_132 = arith.constant 1 : i32
    %dma_wait3A_133 = arith.constant 0 : i32
    %dma_wait3A_134 = arith.constant 0 : i32
    %dma_wait3A_135 = tpu.memref_slice %arg6[%dma_wait3A_131, %dma_wait3A_133, %dma_wait3A_134] : memref<3x32x1024xf32, #tpu.memory_space<vmem>> -> memref<1x32x1024xf32, #tpu.memory_space<vmem>>
    %dma_wait3A_136 = tpu.memref_squeeze %dma_wait3A_135 : memref<1x32x1024xf32, #tpu.memory_space<vmem>> -> memref<32x1024xf32, #tpu.memory_space<vmem>>
    %dma_wait3A_137 = arith.constant 0 : i32
    %dma_wait3A_138 = tpu.memref_slice %arg4[%add3A_114, %dma_wait3A_137] : memref<8192x1024xf32, #tpu.memory_space<hbm>> -> memref<32x1024xf32, #tpu.memory_space<hbm>>
    %dma_wait3A_139 = tpu.memref_slice %arg8[%dma_wait3A_132] : memref<3x!tpu.dma_semaphore, #tpu.memory_space<semaphore_mem>> -> memref<1x!tpu.dma_semaphore, #tpu.memory_space<semaphore_mem>>
    %dma_wait3A_140 = tpu.memref_squeeze %dma_wait3A_139 : memref<1x!tpu.dma_semaphore, #tpu.memory_space<semaphore_mem>> -> memref<!tpu.dma_semaphore, #tpu.memory_space<semaphore_mem>>
    %dma_wait3A_141 = arith.constant 0 : i32
    %dma_wait3A_142 = tpu.memref_slice %arg4[%add3A_114, %dma_wait3A_141] : memref<8192x1024xf32, #tpu.memory_space<hbm>> -> memref<32x1024xf32, #tpu.memory_space<hbm>>
    %dma_wait3A_143 = arith.constant 0 : i32
    %dma_wait3A_144 = arith.constant 0 : i32
    %dma_wait3A_145 = tpu.memref_slice %arg6[%dma_wait3A_131, %dma_wait3A_143, %dma_wait3A_144] : memref<3x32x1024xf32, #tpu.memory_space<vmem>> -> memref<1x32x1024xf32, #tpu.memory_space<vmem>>
    %dma_wait3A_146 = tpu.memref_squeeze %dma_wait3A_145 : memref<1x32x1024xf32, #tpu.memory_space<vmem>> -> memref<32x1024xf32, #tpu.memory_space<vmem>>
    tpu.wait_dma2 semaphore(%dma_wait3A_140 : memref<!tpu.dma_semaphore, #tpu.memory_space<semaphore_mem>>) src(%dma_wait3A_146 : memref<32x1024xf32, #tpu.memory_space<vmem>>) dst(%dma_wait3A_142 : memref<32x1024xf32, #tpu.memory_space<hbm>>)
    %dma_start3A_147 = arith.constant 1 : i32
    %dma_start3A_148 = arith.constant 1 : i32
    %dma_start3A_149 = arith.constant 0 : i32
    %dma_start3A_150 = arith.constant 0 : i32
    %dma_start3A_151 = tpu.memref_slice %arg6[%dma_start3A_147, %dma_start3A_149, %dma_start3A_150] : memref<3x32x1024xf32, #tpu.memory_space<vmem>> -> memref<1x32x1024xf32, #tpu.memory_space<vmem>>
    %dma_start3A_152 = tpu.memref_squeeze %dma_start3A_151 : memref<1x32x1024xf32, #tpu.memory_space<vmem>> -> memref<32x1024xf32, #tpu.memory_space<vmem>>
    %dma_start3A_153 = arith.constant 128 : i32
    %dma_start3A_154 = tpu.memref_slice %arg5[%dma_start3A_153] : memref<256xi32, #tpu.memory_space<vmem>> -> memref<32xi32, #tpu.memory_space<vmem>>
    %dma_start3A_155 = arith.constant 0 : i32
    %dma_start3A_156 = arith.constant 0 : i32
    %dma_start3A_157 = tpu.memref_slice %arg2[%dma_start3A_155, %dma_start3A_156] : memref<100000x1024xf32, #tpu.memory_space<hbm>> -> memref<100000x1024xf32, #tpu.memory_space<hbm>>
    %dma_start3A_158 = tpu.memref_slice %arg7[%dma_start3A_148] : memref<3x!tpu.dma_semaphore, #tpu.memory_space<semaphore_mem>> -> memref<1x!tpu.dma_semaphore, #tpu.memory_space<semaphore_mem>>
    %dma_start3A_159 = tpu.memref_squeeze %dma_start3A_158 : memref<1x!tpu.dma_semaphore, #tpu.memory_space<semaphore_mem>> -> memref<!tpu.dma_semaphore, #tpu.memory_space<semaphore_mem>>
    tpu.enqueue_indirect_dma source(%dma_start3A_157 : memref<100000x1024xf32, #tpu.memory_space<hbm>>) target(%dma_start3A_152 : memref<32x1024xf32, #tpu.memory_space<vmem>>) offsets(%dma_start3A_154 : memref<32xi32, #tpu.memory_space<vmem>>) semaphore(%dma_start3A_159 : memref<!tpu.dma_semaphore, #tpu.memory_space<semaphore_mem>>)
    %dma_wait3A_160 = arith.constant 2 : i32
    %dma_wait3A_161 = arith.constant 2 : i32
    %dma_wait3A_162 = arith.constant 0 : i32
    %dma_wait3A_163 = arith.constant 0 : i32
    %dma_wait3A_164 = tpu.memref_slice %arg6[%dma_wait3A_160, %dma_wait3A_162, %dma_wait3A_163] : memref<3x32x1024xf32, #tpu.memory_space<vmem>> -> memref<1x32x1024xf32, #tpu.memory_space<vmem>>
    %dma_wait3A_165 = tpu.memref_squeeze %dma_wait3A_164 : memref<1x32x1024xf32, #tpu.memory_space<vmem>> -> memref<32x1024xf32, #tpu.memory_space<vmem>>
    %dma_wait3A_166 = arith.constant 64 : i32
    %dma_wait3A_167 = tpu.memref_slice %arg5[%dma_wait3A_166] : memref<256xi32, #tpu.memory_space<vmem>> -> memref<32xi32, #tpu.memory_space<vmem>>
    %dma_wait3A_168 = arith.constant 0 : i32
    %dma_wait3A_169 = arith.constant 0 : i32
    %dma_wait3A_170 = tpu.memref_slice %arg2[%dma_wait3A_168, %dma_wait3A_169] : memref<100000x1024xf32, #tpu.memory_space<hbm>> -> memref<100000x1024xf32, #tpu.memory_space<hbm>>
    %dma_wait3A_171 = tpu.memref_slice %arg7[%dma_wait3A_161] : memref<3x!tpu.dma_semaphore, #tpu.memory_space<semaphore_mem>> -> memref<1x!tpu.dma_semaphore, #tpu.memory_space<semaphore_mem>>
    %dma_wait3A_172 = tpu.memref_squeeze %dma_wait3A_171 : memref<1x!tpu.dma_semaphore, #tpu.memory_space<semaphore_mem>> -> memref<!tpu.dma_semaphore, #tpu.memory_space<semaphore_mem>>
    tpu.wait_indirect_dma semaphore(%dma_wait3A_172 : memref<!tpu.dma_semaphore, #tpu.memory_space<semaphore_mem>>) src(%dma_wait3A_170 : memref<100000x1024xf32, #tpu.memory_space<hbm>>) dst(%dma_wait3A_165 : memref<32x1024xf32, #tpu.memory_space<vmem>>)
    %add3A_173 = arith.constant 64 : i32
    %add3A_174 = arith.addi %mul3A_2, %add3A_173 : i32
    %dma_start3A_175 = arith.constant 2 : i32
    %dma_start3A_176 = arith.constant 2 : i32
    %dma_start3A_177 = arith.constant 0 : i32
    %dma_start3A_178 = arith.constant 0 : i32
    %dma_start3A_179 = tpu.memref_slice %arg6[%dma_start3A_175, %dma_start3A_177, %dma_start3A_178] : memref<3x32x1024xf32, #tpu.memory_space<vmem>> -> memref<1x32x1024xf32, #tpu.memory_space<vmem>>
    %dma_start3A_180 = tpu.memref_squeeze %dma_start3A_179 : memref<1x32x1024xf32, #tpu.memory_space<vmem>> -> memref<32x1024xf32, #tpu.memory_space<vmem>>
    %dma_start3A_181 = arith.constant 0 : i32
    %dma_start3A_182 = tpu.memref_slice %arg4[%add3A_174, %dma_start3A_181] : memref<8192x1024xf32, #tpu.memory_space<hbm>> -> memref<32x1024xf32, #tpu.memory_space<hbm>>
    %dma_start3A_183 = tpu.memref_slice %arg8[%dma_start3A_176] : memref<3x!tpu.dma_semaphore, #tpu.memory_space<semaphore_mem>> -> memref<1x!tpu.dma_semaphore, #tpu.memory_space<semaphore_mem>>
    %dma_start3A_184 = tpu.memref_squeeze %dma_start3A_183 : memref<1x!tpu.dma_semaphore, #tpu.memory_space<semaphore_mem>> -> memref<!tpu.dma_semaphore, #tpu.memory_space<semaphore_mem>>
    %dma_start3A_185 = arith.constant 0 : i32
    %dma_start3A_186 = tpu.memref_slice %arg4[%add3A_174, %dma_start3A_185] : memref<8192x1024xf32, #tpu.memory_space<hbm>> -> memref<32x1024xf32, #tpu.memory_space<hbm>>
    %dma_start3A_187 = arith.constant 0 : i32
    %dma_start3A_188 = arith.constant 0 : i32
    %dma_start3A_189 = tpu.memref_slice %arg6[%dma_start3A_175, %dma_start3A_187, %dma_start3A_188] : memref<3x32x1024xf32, #tpu.memory_space<vmem>> -> memref<1x32x1024xf32, #tpu.memory_space<vmem>>
    %dma_start3A_190 = tpu.memref_squeeze %dma_start3A_189 : memref<1x32x1024xf32, #tpu.memory_space<vmem>> -> memref<32x1024xf32, #tpu.memory_space<vmem>>
    tpu.enqueue_dma source(%dma_start3A_190 : memref<32x1024xf32, #tpu.memory_space<vmem>>) target(%dma_start3A_186 : memref<32x1024xf32, #tpu.memory_space<hbm>>) target_semaphore(%dma_start3A_184 : memref<!tpu.dma_semaphore, #tpu.memory_space<semaphore_mem>>)
    %dma_wait3A_191 = arith.constant 2 : i32
    %dma_wait3A_192 = arith.constant 2 : i32
    %dma_wait3A_193 = arith.constant 0 : i32
    %dma_wait3A_194 = arith.constant 0 : i32
    %dma_wait3A_195 = tpu.memref_slice %arg6[%dma_wait3A_191, %dma_wait3A_193, %dma_wait3A_194] : memref<3x32x1024xf32, #tpu.memory_space<vmem>> -> memref<1x32x1024xf32, #tpu.memory_space<vmem>>
    %dma_wait3A_196 = tpu.memref_squeeze %dma_wait3A_195 : memref<1x32x1024xf32, #tpu.memory_space<vmem>> -> memref<32x1024xf32, #tpu.memory_space<vmem>>
    %dma_wait3A_197 = arith.constant 0 : i32
    %dma_wait3A_198 = tpu.memref_slice %arg4[%add3A_174, %dma_wait3A_197] : memref<8192x1024xf32, #tpu.memory_space<hbm>> -> memref<32x1024xf32, #tpu.memory_space<hbm>>
    %dma_wait3A_199 = tpu.memref_slice %arg8[%dma_wait3A_192] : memref<3x!tpu.dma_semaphore, #tpu.memory_space<semaphore_mem>> -> memref<1x!tpu.dma_semaphore, #tpu.memory_space<semaphore_mem>>
    %dma_wait3A_200 = tpu.memref_squeeze %dma_wait3A_199 : memref<1x!tpu.dma_semaphore, #tpu.memory_space<semaphore_mem>> -> memref<!tpu.dma_semaphore, #tpu.memory_space<semaphore_mem>>
    %dma_wait3A_201 = arith.constant 0 : i32
    %dma_wait3A_202 = tpu.memref_slice %arg4[%add3A_174, %dma_wait3A_201] : memref<8192x1024xf32, #tpu.memory_space<hbm>> -> memref<32x1024xf32, #tpu.memory_space<hbm>>
    %dma_wait3A_203 = arith.constant 0 : i32
    %dma_wait3A_204 = arith.constant 0 : i32
    %dma_wait3A_205 = tpu.memref_slice %arg6[%dma_wait3A_191, %dma_wait3A_203, %dma_wait3A_204] : memref<3x32x1024xf32, #tpu.memory_space<vmem>> -> memref<1x32x1024xf32, #tpu.memory_space<vmem>>
    %dma_wait3A_206 = tpu.memref_squeeze %dma_wait3A_205 : memref<1x32x1024xf32, #tpu.memory_space<vmem>> -> memref<32x1024xf32, #tpu.memory_space<vmem>>
    tpu.wait_dma2 semaphore(%dma_wait3A_200 : memref<!tpu.dma_semaphore, #tpu.memory_space<semaphore_mem>>) src(%dma_wait3A_206 : memref<32x1024xf32, #tpu.memory_space<vmem>>) dst(%dma_wait3A_202 : memref<32x1024xf32, #tpu.memory_space<hbm>>)
    %dma_start3A_207 = arith.constant 2 : i32
    %dma_start3A_208 = arith.constant 2 : i32
    %dma_start3A_209 = arith.constant 0 : i32
    %dma_start3A_210 = arith.constant 0 : i32
    %dma_start3A_211 = tpu.memref_slice %arg6[%dma_start3A_207, %dma_start3A_209, %dma_start3A_210] : memref<3x32x1024xf32, #tpu.memory_space<vmem>> -> memref<1x32x1024xf32, #tpu.memory_space<vmem>>
    %dma_start3A_212 = tpu.memref_squeeze %dma_start3A_211 : memref<1x32x1024xf32, #tpu.memory_space<vmem>> -> memref<32x1024xf32, #tpu.memory_space<vmem>>
    %dma_start3A_213 = arith.constant 160 : i32
    %dma_start3A_214 = tpu.memref_slice %arg5[%dma_start3A_213] : memref<256xi32, #tpu.memory_space<vmem>> -> memref<32xi32, #tpu.memory_space<vmem>>
    %dma_start3A_215 = arith.constant 0 : i32
    %dma_start3A_216 = arith.constant 0 : i32
    %dma_start3A_217 = tpu.memref_slice %arg2[%dma_start3A_215, %dma_start3A_216] : memref<100000x1024xf32, #tpu.memory_space<hbm>> -> memref<100000x1024xf32, #tpu.memory_space<hbm>>
    %dma_start3A_218 = tpu.memref_slice %arg7[%dma_start3A_208] : memref<3x!tpu.dma_semaphore, #tpu.memory_space<semaphore_mem>> -> memref<1x!tpu.dma_semaphore, #tpu.memory_space<semaphore_mem>>
    %dma_start3A_219 = tpu.memref_squeeze %dma_start3A_218 : memref<1x!tpu.dma_semaphore, #tpu.memory_space<semaphore_mem>> -> memref<!tpu.dma_semaphore, #tpu.memory_space<semaphore_mem>>
    tpu.enqueue_indirect_dma source(%dma_start3A_217 : memref<100000x1024xf32, #tpu.memory_space<hbm>>) target(%dma_start3A_212 : memref<32x1024xf32, #tpu.memory_space<vmem>>) offsets(%dma_start3A_214 : memref<32xi32, #tpu.memory_space<vmem>>) semaphore(%dma_start3A_219 : memref<!tpu.dma_semaphore, #tpu.memory_space<semaphore_mem>>)
    %dma_wait3A_220 = arith.constant 0 : i32
    %dma_wait3A_221 = arith.constant 0 : i32
    %dma_wait3A_222 = arith.constant 0 : i32
    %dma_wait3A_223 = arith.constant 0 : i32
    %dma_wait3A_224 = tpu.memref_slice %arg6[%dma_wait3A_220, %dma_wait3A_222, %dma_wait3A_223] : memref<3x32x1024xf32, #tpu.memory_space<vmem>> -> memref<1x32x1024xf32, #tpu.memory_space<vmem>>
    %dma_wait3A_225 = tpu.memref_squeeze %dma_wait3A_224 : memref<1x32x1024xf32, #tpu.memory_space<vmem>> -> memref<32x1024xf32, #tpu.memory_space<vmem>>
    %dma_wait3A_226 = arith.constant 96 : i32
    %dma_wait3A_227 = tpu.memref_slice %arg5[%dma_wait3A_226] : memref<256xi32, #tpu.memory_space<vmem>> -> memref<32xi32, #tpu.memory_space<vmem>>
    %dma_wait3A_228 = arith.constant 0 : i32
    %dma_wait3A_229 = arith.constant 0 : i32
    %dma_wait3A_230 = tpu.memref_slice %arg2[%dma_wait3A_228, %dma_wait3A_229] : memref<100000x1024xf32, #tpu.memory_space<hbm>> -> memref<100000x1024xf32, #tpu.memory_space<hbm>>
    %dma_wait3A_231 = tpu.memref_slice %arg7[%dma_wait3A_221] : memref<3x!tpu.dma_semaphore, #tpu.memory_space<semaphore_mem>> -> memref<1x!tpu.dma_semaphore, #tpu.memory_space<semaphore_mem>>
    %dma_wait3A_232 = tpu.memref_squeeze %dma_wait3A_231 : memref<1x!tpu.dma_semaphore, #tpu.memory_space<semaphore_mem>> -> memref<!tpu.dma_semaphore, #tpu.memory_space<semaphore_mem>>
    tpu.wait_indirect_dma semaphore(%dma_wait3A_232 : memref<!tpu.dma_semaphore, #tpu.memory_space<semaphore_mem>>) src(%dma_wait3A_230 : memref<100000x1024xf32, #tpu.memory_space<hbm>>) dst(%dma_wait3A_225 : memref<32x1024xf32, #tpu.memory_space<vmem>>)
    %add3A_233 = arith.constant 96 : i32
    %add3A_234 = arith.addi %mul3A_2, %add3A_233 : i32
    %dma_start3A_235 = arith.constant 0 : i32
    %dma_start3A_236 = arith.constant 0 : i32
    %dma_start3A_237 = arith.constant 0 : i32
    %dma_start3A_238 = arith.constant 0 : i32
    %dma_start3A_239 = tpu.memref_slice %arg6[%dma_start3A_235, %dma_start3A_237, %dma_start3A_238] : memref<3x32x1024xf32, #tpu.memory_space<vmem>> -> memref<1x32x1024xf32, #tpu.memory_space<vmem>>
    %dma_start3A_240 = tpu.memref_squeeze %dma_start3A_239 : memref<1x32x1024xf32, #tpu.memory_space<vmem>> -> memref<32x1024xf32, #tpu.memory_space<vmem>>
    %dma_start3A_241 = arith.constant 0 : i32
    %dma_start3A_242 = tpu.memref_slice %arg4[%add3A_234, %dma_start3A_241] : memref<8192x1024xf32, #tpu.memory_space<hbm>> -> memref<32x1024xf32, #tpu.memory_space<hbm>>
    %dma_start3A_243 = tpu.memref_slice %arg8[%dma_start3A_236] : memref<3x!tpu.dma_semaphore, #tpu.memory_space<semaphore_mem>> -> memref<1x!tpu.dma_semaphore, #tpu.memory_space<semaphore_mem>>
    %dma_start3A_244 = tpu.memref_squeeze %dma_start3A_243 : memref<1x!tpu.dma_semaphore, #tpu.memory_space<semaphore_mem>> -> memref<!tpu.dma_semaphore, #tpu.memory_space<semaphore_mem>>
    %dma_start3A_245 = arith.constant 0 : i32
    %dma_start3A_246 = tpu.memref_slice %arg4[%add3A_234, %dma_start3A_245] : memref<8192x1024xf32, #tpu.memory_space<hbm>> -> memref<32x1024xf32, #tpu.memory_space<hbm>>
    %dma_start3A_247 = arith.constant 0 : i32
    %dma_start3A_248 = arith.constant 0 : i32
    %dma_start3A_249 = tpu.memref_slice %arg6[%dma_start3A_235, %dma_start3A_247, %dma_start3A_248] : memref<3x32x1024xf32, #tpu.memory_space<vmem>> -> memref<1x32x1024xf32, #tpu.memory_space<vmem>>
    %dma_start3A_250 = tpu.memref_squeeze %dma_start3A_249 : memref<1x32x1024xf32, #tpu.memory_space<vmem>> -> memref<32x1024xf32, #tpu.memory_space<vmem>>
    tpu.enqueue_dma source(%dma_start3A_250 : memref<32x1024xf32, #tpu.memory_space<vmem>>) target(%dma_start3A_246 : memref<32x1024xf32, #tpu.memory_space<hbm>>) target_semaphore(%dma_start3A_244 : memref<!tpu.dma_semaphore, #tpu.memory_space<semaphore_mem>>)
    %dma_wait3A_251 = arith.constant 0 : i32
    %dma_wait3A_252 = arith.constant 0 : i32
    %dma_wait3A_253 = arith.constant 0 : i32
    %dma_wait3A_254 = arith.constant 0 : i32
    %dma_wait3A_255 = tpu.memref_slice %arg6[%dma_wait3A_251, %dma_wait3A_253, %dma_wait3A_254] : memref<3x32x1024xf32, #tpu.memory_space<vmem>> -> memref<1x32x1024xf32, #tpu.memory_space<vmem>>
    %dma_wait3A_256 = tpu.memref_squeeze %dma_wait3A_255 : memref<1x32x1024xf32, #tpu.memory_space<vmem>> -> memref<32x1024xf32, #tpu.memory_space<vmem>>
    %dma_wait3A_257 = arith.constant 0 : i32
    %dma_wait3A_258 = tpu.memref_slice %arg4[%add3A_234, %dma_wait3A_257] : memref<8192x1024xf32, #tpu.memory_space<hbm>> -> memref<32x1024xf32, #tpu.memory_space<hbm>>
    %dma_wait3A_259 = tpu.memref_slice %arg8[%dma_wait3A_252] : memref<3x!tpu.dma_semaphore, #tpu.memory_space<semaphore_mem>> -> memref<1x!tpu.dma_semaphore, #tpu.memory_space<semaphore_mem>>
    %dma_wait3A_260 = tpu.memref_squeeze %dma_wait3A_259 : memref<1x!tpu.dma_semaphore, #tpu.memory_space<semaphore_mem>> -> memref<!tpu.dma_semaphore, #tpu.memory_space<semaphore_mem>>
    %dma_wait3A_261 = arith.constant 0 : i32
    %dma_wait3A_262 = tpu.memref_slice %arg4[%add3A_234, %dma_wait3A_261] : memref<8192x1024xf32, #tpu.memory_space<hbm>> -> memref<32x1024xf32, #tpu.memory_space<hbm>>
    %dma_wait3A_263 = arith.constant 0 : i32
    %dma_wait3A_264 = arith.constant 0 : i32
    %dma_wait3A_265 = tpu.memref_slice %arg6[%dma_wait3A_251, %dma_wait3A_263, %dma_wait3A_264] : memref<3x32x1024xf32, #tpu.memory_space<vmem>> -> memref<1x32x1024xf32, #tpu.memory_space<vmem>>
    %dma_wait3A_266 = tpu.memref_squeeze %dma_wait3A_265 : memref<1x32x1024xf32, #tpu.memory_space<vmem>> -> memref<32x1024xf32, #tpu.memory_space<vmem>>
    tpu.wait_dma2 semaphore(%dma_wait3A_260 : memref<!tpu.dma_semaphore, #tpu.memory_space<semaphore_mem>>) src(%dma_wait3A_266 : memref<32x1024xf32, #tpu.memory_space<vmem>>) dst(%dma_wait3A_262 : memref<32x1024xf32, #tpu.memory_space<hbm>>)
    %dma_start3A_267 = arith.constant 0 : i32
    %dma_start3A_268 = arith.constant 0 : i32
    %dma_start3A_269 = arith.constant 0 : i32
    %dma_start3A_270 = arith.constant 0 : i32
    %dma_start3A_271 = tpu.memref_slice %arg6[%dma_start3A_267, %dma_start3A_269, %dma_start3A_270] : memref<3x32x1024xf32, #tpu.memory_space<vmem>> -> memref<1x32x1024xf32, #tpu.memory_space<vmem>>
    %dma_start3A_272 = tpu.memref_squeeze %dma_start3A_271 : memref<1x32x1024xf32, #tpu.memory_space<vmem>> -> memref<32x1024xf32, #tpu.memory_space<vmem>>
    %dma_start3A_273 = arith.constant 192 : i32
    %dma_start3A_274 = tpu.memref_slice %arg5[%dma_start3A_273] : memref<256xi32, #tpu.memory_space<vmem>> -> memref<32xi32, #tpu.memory_space<vmem>>
    %dma_start3A_275 = arith.constant 0 : i32
    %dma_start3A_276 = arith.constant 0 : i32
    %dma_start3A_277 = tpu.memref_slice %arg2[%dma_start3A_275, %dma_start3A_276] : memref<100000x1024xf32, #tpu.memory_space<hbm>> -> memref<100000x1024xf32, #tpu.memory_space<hbm>>
    %dma_start3A_278 = tpu.memref_slice %arg7[%dma_start3A_268] : memref<3x!tpu.dma_semaphore, #tpu.memory_space<semaphore_mem>> -> memref<1x!tpu.dma_semaphore, #tpu.memory_space<semaphore_mem>>
    %dma_start3A_279 = tpu.memref_squeeze %dma_start3A_278 : memref<1x!tpu.dma_semaphore, #tpu.memory_space<semaphore_mem>> -> memref<!tpu.dma_semaphore, #tpu.memory_space<semaphore_mem>>
    tpu.enqueue_indirect_dma source(%dma_start3A_277 : memref<100000x1024xf32, #tpu.memory_space<hbm>>) target(%dma_start3A_272 : memref<32x1024xf32, #tpu.memory_space<vmem>>) offsets(%dma_start3A_274 : memref<32xi32, #tpu.memory_space<vmem>>) semaphore(%dma_start3A_279 : memref<!tpu.dma_semaphore, #tpu.memory_space<semaphore_mem>>)
    %dma_wait3A_280 = arith.constant 1 : i32
    %dma_wait3A_281 = arith.constant 1 : i32
    %dma_wait3A_282 = arith.constant 0 : i32
    %dma_wait3A_283 = arith.constant 0 : i32
    %dma_wait3A_284 = tpu.memref_slice %arg6[%dma_wait3A_280, %dma_wait3A_282, %dma_wait3A_283] : memref<3x32x1024xf32, #tpu.memory_space<vmem>> -> memref<1x32x1024xf32, #tpu.memory_space<vmem>>
    %dma_wait3A_285 = tpu.memref_squeeze %dma_wait3A_284 : memref<1x32x1024xf32, #tpu.memory_space<vmem>> -> memref<32x1024xf32, #tpu.memory_space<vmem>>
    %dma_wait3A_286 = arith.constant 128 : i32
    %dma_wait3A_287 = tpu.memref_slice %arg5[%dma_wait3A_286] : memref<256xi32, #tpu.memory_space<vmem>> -> memref<32xi32, #tpu.memory_space<vmem>>
    %dma_wait3A_288 = arith.constant 0 : i32
    %dma_wait3A_289 = arith.constant 0 : i32
    %dma_wait3A_290 = tpu.memref_slice %arg2[%dma_wait3A_288, %dma_wait3A_289] : memref<100000x1024xf32, #tpu.memory_space<hbm>> -> memref<100000x1024xf32, #tpu.memory_space<hbm>>
    %dma_wait3A_291 = tpu.memref_slice %arg7[%dma_wait3A_281] : memref<3x!tpu.dma_semaphore, #tpu.memory_space<semaphore_mem>> -> memref<1x!tpu.dma_semaphore, #tpu.memory_space<semaphore_mem>>
    %dma_wait3A_292 = tpu.memref_squeeze %dma_wait3A_291 : memref<1x!tpu.dma_semaphore, #tpu.memory_space<semaphore_mem>> -> memref<!tpu.dma_semaphore, #tpu.memory_space<semaphore_mem>>
    tpu.wait_indirect_dma semaphore(%dma_wait3A_292 : memref<!tpu.dma_semaphore, #tpu.memory_space<semaphore_mem>>) src(%dma_wait3A_290 : memref<100000x1024xf32, #tpu.memory_space<hbm>>) dst(%dma_wait3A_285 : memref<32x1024xf32, #tpu.memory_space<vmem>>)
    %add3A_293 = arith.constant 128 : i32
    %add3A_294 = arith.addi %mul3A_2, %add3A_293 : i32
    %dma_start3A_295 = arith.constant 1 : i32
    %dma_start3A_296 = arith.constant 1 : i32
    %dma_start3A_297 = arith.constant 0 : i32
    %dma_start3A_298 = arith.constant 0 : i32
    %dma_start3A_299 = tpu.memref_slice %arg6[%dma_start3A_295, %dma_start3A_297, %dma_start3A_298] : memref<3x32x1024xf32, #tpu.memory_space<vmem>> -> memref<1x32x1024xf32, #tpu.memory_space<vmem>>
    %dma_start3A_300 = tpu.memref_squeeze %dma_start3A_299 : memref<1x32x1024xf32, #tpu.memory_space<vmem>> -> memref<32x1024xf32, #tpu.memory_space<vmem>>
    %dma_start3A_301 = arith.constant 0 : i32
    %dma_start3A_302 = tpu.memref_slice %arg4[%add3A_294, %dma_start3A_301] : memref<8192x1024xf32, #tpu.memory_space<hbm>> -> memref<32x1024xf32, #tpu.memory_space<hbm>>
    %dma_start3A_303 = tpu.memref_slice %arg8[%dma_start3A_296] : memref<3x!tpu.dma_semaphore, #tpu.memory_space<semaphore_mem>> -> memref<1x!tpu.dma_semaphore, #tpu.memory_space<semaphore_mem>>
    %dma_start3A_304 = tpu.memref_squeeze %dma_start3A_303 : memref<1x!tpu.dma_semaphore, #tpu.memory_space<semaphore_mem>> -> memref<!tpu.dma_semaphore, #tpu.memory_space<semaphore_mem>>
    %dma_start3A_305 = arith.constant 0 : i32
    %dma_start3A_306 = tpu.memref_slice %arg4[%add3A_294, %dma_start3A_305] : memref<8192x1024xf32, #tpu.memory_space<hbm>> -> memref<32x1024xf32, #tpu.memory_space<hbm>>
    %dma_start3A_307 = arith.constant 0 : i32
    %dma_start3A_308 = arith.constant 0 : i32
    %dma_start3A_309 = tpu.memref_slice %arg6[%dma_start3A_295, %dma_start3A_307, %dma_start3A_308] : memref<3x32x1024xf32, #tpu.memory_space<vmem>> -> memref<1x32x1024xf32, #tpu.memory_space<vmem>>
    %dma_start3A_310 = tpu.memref_squeeze %dma_start3A_309 : memref<1x32x1024xf32, #tpu.memory_space<vmem>> -> memref<32x1024xf32, #tpu.memory_space<vmem>>
    tpu.enqueue_dma source(%dma_start3A_310 : memref<32x1024xf32, #tpu.memory_space<vmem>>) target(%dma_start3A_306 : memref<32x1024xf32, #tpu.memory_space<hbm>>) target_semaphore(%dma_start3A_304 : memref<!tpu.dma_semaphore, #tpu.memory_space<semaphore_mem>>)
    %dma_wait3A_311 = arith.constant 1 : i32
    %dma_wait3A_312 = arith.constant 1 : i32
    %dma_wait3A_313 = arith.constant 0 : i32
    %dma_wait3A_314 = arith.constant 0 : i32
    %dma_wait3A_315 = tpu.memref_slice %arg6[%dma_wait3A_311, %dma_wait3A_313, %dma_wait3A_314] : memref<3x32x1024xf32, #tpu.memory_space<vmem>> -> memref<1x32x1024xf32, #tpu.memory_space<vmem>>
    %dma_wait3A_316 = tpu.memref_squeeze %dma_wait3A_315 : memref<1x32x1024xf32, #tpu.memory_space<vmem>> -> memref<32x1024xf32, #tpu.memory_space<vmem>>
    %dma_wait3A_317 = arith.constant 0 : i32
    %dma_wait3A_318 = tpu.memref_slice %arg4[%add3A_294, %dma_wait3A_317] : memref<8192x1024xf32, #tpu.memory_space<hbm>> -> memref<32x1024xf32, #tpu.memory_space<hbm>>
    %dma_wait3A_319 = tpu.memref_slice %arg8[%dma_wait3A_312] : memref<3x!tpu.dma_semaphore, #tpu.memory_space<semaphore_mem>> -> memref<1x!tpu.dma_semaphore, #tpu.memory_space<semaphore_mem>>
    %dma_wait3A_320 = tpu.memref_squeeze %dma_wait3A_319 : memref<1x!tpu.dma_semaphore, #tpu.memory_space<semaphore_mem>> -> memref<!tpu.dma_semaphore, #tpu.memory_space<semaphore_mem>>
    %dma_wait3A_321 = arith.constant 0 : i32
    %dma_wait3A_322 = tpu.memref_slice %arg4[%add3A_294, %dma_wait3A_321] : memref<8192x1024xf32, #tpu.memory_space<hbm>> -> memref<32x1024xf32, #tpu.memory_space<hbm>>
    %dma_wait3A_323 = arith.constant 0 : i32
    %dma_wait3A_324 = arith.constant 0 : i32
    %dma_wait3A_325 = tpu.memref_slice %arg6[%dma_wait3A_311, %dma_wait3A_323, %dma_wait3A_324] : memref<3x32x1024xf32, #tpu.memory_space<vmem>> -> memref<1x32x1024xf32, #tpu.memory_space<vmem>>
    %dma_wait3A_326 = tpu.memref_squeeze %dma_wait3A_325 : memref<1x32x1024xf32, #tpu.memory_space<vmem>> -> memref<32x1024xf32, #tpu.memory_space<vmem>>
    tpu.wait_dma2 semaphore(%dma_wait3A_320 : memref<!tpu.dma_semaphore, #tpu.memory_space<semaphore_mem>>) src(%dma_wait3A_326 : memref<32x1024xf32, #tpu.memory_space<vmem>>) dst(%dma_wait3A_322 : memref<32x1024xf32, #tpu.memory_space<hbm>>)
    %dma_start3A_327 = arith.constant 1 : i32
    %dma_start3A_328 = arith.constant 1 : i32
    %dma_start3A_329 = arith.constant 0 : i32
    %dma_start3A_330 = arith.constant 0 : i32
    %dma_start3A_331 = tpu.memref_slice %arg6[%dma_start3A_327, %dma_start3A_329, %dma_start3A_330] : memref<3x32x1024xf32, #tpu.memory_space<vmem>> -> memref<1x32x1024xf32, #tpu.memory_space<vmem>>
    %dma_start3A_332 = tpu.memref_squeeze %dma_start3A_331 : memref<1x32x1024xf32, #tpu.memory_space<vmem>> -> memref<32x1024xf32, #tpu.memory_space<vmem>>
    %dma_start3A_333 = arith.constant 224 : i32
    %dma_start3A_334 = tpu.memref_slice %arg5[%dma_start3A_333] : memref<256xi32, #tpu.memory_space<vmem>> -> memref<32xi32, #tpu.memory_space<vmem>>
    %dma_start3A_335 = arith.constant 0 : i32
    %dma_start3A_336 = arith.constant 0 : i32
    %dma_start3A_337 = tpu.memref_slice %arg2[%dma_start3A_335, %dma_start3A_336] : memref<100000x1024xf32, #tpu.memory_space<hbm>> -> memref<100000x1024xf32, #tpu.memory_space<hbm>>
    %dma_start3A_338 = tpu.memref_slice %arg7[%dma_start3A_328] : memref<3x!tpu.dma_semaphore, #tpu.memory_space<semaphore_mem>> -> memref<1x!tpu.dma_semaphore, #tpu.memory_space<semaphore_mem>>
    %dma_start3A_339 = tpu.memref_squeeze %dma_start3A_338 : memref<1x!tpu.dma_semaphore, #tpu.memory_space<semaphore_mem>> -> memref<!tpu.dma_semaphore, #tpu.memory_space<semaphore_mem>>
    tpu.enqueue_indirect_dma source(%dma_start3A_337 : memref<100000x1024xf32, #tpu.memory_space<hbm>>) target(%dma_start3A_332 : memref<32x1024xf32, #tpu.memory_space<vmem>>) offsets(%dma_start3A_334 : memref<32xi32, #tpu.memory_space<vmem>>) semaphore(%dma_start3A_339 : memref<!tpu.dma_semaphore, #tpu.memory_space<semaphore_mem>>)
    %dma_wait3A_340 = arith.constant 2 : i32
    %dma_wait3A_341 = arith.constant 2 : i32
    %dma_wait3A_342 = arith.constant 0 : i32
    %dma_wait3A_343 = arith.constant 0 : i32
    %dma_wait3A_344 = tpu.memref_slice %arg6[%dma_wait3A_340, %dma_wait3A_342, %dma_wait3A_343] : memref<3x32x1024xf32, #tpu.memory_space<vmem>> -> memref<1x32x1024xf32, #tpu.memory_space<vmem>>
    %dma_wait3A_345 = tpu.memref_squeeze %dma_wait3A_344 : memref<1x32x1024xf32, #tpu.memory_space<vmem>> -> memref<32x1024xf32, #tpu.memory_space<vmem>>
    %dma_wait3A_346 = arith.constant 160 : i32
    %dma_wait3A_347 = tpu.memref_slice %arg5[%dma_wait3A_346] : memref<256xi32, #tpu.memory_space<vmem>> -> memref<32xi32, #tpu.memory_space<vmem>>
    %dma_wait3A_348 = arith.constant 0 : i32
    %dma_wait3A_349 = arith.constant 0 : i32
    %dma_wait3A_350 = tpu.memref_slice %arg2[%dma_wait3A_348, %dma_wait3A_349] : memref<100000x1024xf32, #tpu.memory_space<hbm>> -> memref<100000x1024xf32, #tpu.memory_space<hbm>>
    %dma_wait3A_351 = tpu.memref_slice %arg7[%dma_wait3A_341] : memref<3x!tpu.dma_semaphore, #tpu.memory_space<semaphore_mem>> -> memref<1x!tpu.dma_semaphore, #tpu.memory_space<semaphore_mem>>
    %dma_wait3A_352 = tpu.memref_squeeze %dma_wait3A_351 : memref<1x!tpu.dma_semaphore, #tpu.memory_space<semaphore_mem>> -> memref<!tpu.dma_semaphore, #tpu.memory_space<semaphore_mem>>
    tpu.wait_indirect_dma semaphore(%dma_wait3A_352 : memref<!tpu.dma_semaphore, #tpu.memory_space<semaphore_mem>>) src(%dma_wait3A_350 : memref<100000x1024xf32, #tpu.memory_space<hbm>>) dst(%dma_wait3A_345 : memref<32x1024xf32, #tpu.memory_space<vmem>>)
    %add3A_353 = arith.constant 160 : i32
    %add3A_354 = arith.addi %mul3A_2, %add3A_353 : i32
    %dma_start3A_355 = arith.constant 2 : i32
    %dma_start3A_356 = arith.constant 2 : i32
    %dma_start3A_357 = arith.constant 0 : i32
    %dma_start3A_358 = arith.constant 0 : i32
    %dma_start3A_359 = tpu.memref_slice %arg6[%dma_start3A_355, %dma_start3A_357, %dma_start3A_358] : memref<3x32x1024xf32, #tpu.memory_space<vmem>> -> memref<1x32x1024xf32, #tpu.memory_space<vmem>>
    %dma_start3A_360 = tpu.memref_squeeze %dma_start3A_359 : memref<1x32x1024xf32, #tpu.memory_space<vmem>> -> memref<32x1024xf32, #tpu.memory_space<vmem>>
    %dma_start3A_361 = arith.constant 0 : i32
    %dma_start3A_362 = tpu.memref_slice %arg4[%add3A_354, %dma_start3A_361] : memref<8192x1024xf32, #tpu.memory_space<hbm>> -> memref<32x1024xf32, #tpu.memory_space<hbm>>
    %dma_start3A_363 = tpu.memref_slice %arg8[%dma_start3A_356] : memref<3x!tpu.dma_semaphore, #tpu.memory_space<semaphore_mem>> -> memref<1x!tpu.dma_semaphore, #tpu.memory_space<semaphore_mem>>
    %dma_start3A_364 = tpu.memref_squeeze %dma_start3A_363 : memref<1x!tpu.dma_semaphore, #tpu.memory_space<semaphore_mem>> -> memref<!tpu.dma_semaphore, #tpu.memory_space<semaphore_mem>>
    %dma_start3A_365 = arith.constant 0 : i32
    %dma_start3A_366 = tpu.memref_slice %arg4[%add3A_354, %dma_start3A_365] : memref<8192x1024xf32, #tpu.memory_space<hbm>> -> memref<32x1024xf32, #tpu.memory_space<hbm>>
    %dma_start3A_367 = arith.constant 0 : i32
    %dma_start3A_368 = arith.constant 0 : i32
    %dma_start3A_369 = tpu.memref_slice %arg6[%dma_start3A_355, %dma_start3A_367, %dma_start3A_368] : memref<3x32x1024xf32, #tpu.memory_space<vmem>> -> memref<1x32x1024xf32, #tpu.memory_space<vmem>>
    %dma_start3A_370 = tpu.memref_squeeze %dma_start3A_369 : memref<1x32x1024xf32, #tpu.memory_space<vmem>> -> memref<32x1024xf32, #tpu.memory_space<vmem>>
    tpu.enqueue_dma source(%dma_start3A_370 : memref<32x1024xf32, #tpu.memory_space<vmem>>) target(%dma_start3A_366 : memref<32x1024xf32, #tpu.memory_space<hbm>>) target_semaphore(%dma_start3A_364 : memref<!tpu.dma_semaphore, #tpu.memory_space<semaphore_mem>>)
    %dma_wait3A_371 = arith.constant 0 : i32
    %dma_wait3A_372 = arith.constant 0 : i32
    %dma_wait3A_373 = arith.constant 0 : i32
    %dma_wait3A_374 = arith.constant 0 : i32
    %dma_wait3A_375 = tpu.memref_slice %arg6[%dma_wait3A_371, %dma_wait3A_373, %dma_wait3A_374] : memref<3x32x1024xf32, #tpu.memory_space<vmem>> -> memref<1x32x1024xf32, #tpu.memory_space<vmem>>
    %dma_wait3A_376 = tpu.memref_squeeze %dma_wait3A_375 : memref<1x32x1024xf32, #tpu.memory_space<vmem>> -> memref<32x1024xf32, #tpu.memory_space<vmem>>
    %dma_wait3A_377 = arith.constant 192 : i32
    %dma_wait3A_378 = tpu.memref_slice %arg5[%dma_wait3A_377] : memref<256xi32, #tpu.memory_space<vmem>> -> memref<32xi32, #tpu.memory_space<vmem>>
    %dma_wait3A_379 = arith.constant 0 : i32
    %dma_wait3A_380 = arith.constant 0 : i32
    %dma_wait3A_381 = tpu.memref_slice %arg2[%dma_wait3A_379, %dma_wait3A_380] : memref<100000x1024xf32, #tpu.memory_space<hbm>> -> memref<100000x1024xf32, #tpu.memory_space<hbm>>
    %dma_wait3A_382 = tpu.memref_slice %arg7[%dma_wait3A_372] : memref<3x!tpu.dma_semaphore, #tpu.memory_space<semaphore_mem>> -> memref<1x!tpu.dma_semaphore, #tpu.memory_space<semaphore_mem>>
    %dma_wait3A_383 = tpu.memref_squeeze %dma_wait3A_382 : memref<1x!tpu.dma_semaphore, #tpu.memory_space<semaphore_mem>> -> memref<!tpu.dma_semaphore, #tpu.memory_space<semaphore_mem>>
    tpu.wait_indirect_dma semaphore(%dma_wait3A_383 : memref<!tpu.dma_semaphore, #tpu.memory_space<semaphore_mem>>) src(%dma_wait3A_381 : memref<100000x1024xf32, #tpu.memory_space<hbm>>) dst(%dma_wait3A_376 : memref<32x1024xf32, #tpu.memory_space<vmem>>)
    %add3A_384 = arith.constant 192 : i32
    %add3A_385 = arith.addi %mul3A_2, %add3A_384 : i32
    %dma_start3A_386 = arith.constant 0 : i32
    %dma_start3A_387 = arith.constant 0 : i32
    %dma_start3A_388 = arith.constant 0 : i32
    %dma_start3A_389 = arith.constant 0 : i32
    %dma_start3A_390 = tpu.memref_slice %arg6[%dma_start3A_386, %dma_start3A_388, %dma_start3A_389] : memref<3x32x1024xf32, #tpu.memory_space<vmem>> -> memref<1x32x1024xf32, #tpu.memory_space<vmem>>
    %dma_start3A_391 = tpu.memref_squeeze %dma_start3A_390 : memref<1x32x1024xf32, #tpu.memory_space<vmem>> -> memref<32x1024xf32, #tpu.memory_space<vmem>>
    %dma_start3A_392 = arith.constant 0 : i32
    %dma_start3A_393 = tpu.memref_slice %arg4[%add3A_385, %dma_start3A_392] : memref<8192x1024xf32, #tpu.memory_space<hbm>> -> memref<32x1024xf32, #tpu.memory_space<hbm>>
    %dma_start3A_394 = tpu.memref_slice %arg8[%dma_start3A_387] : memref<3x!tpu.dma_semaphore, #tpu.memory_space<semaphore_mem>> -> memref<1x!tpu.dma_semaphore, #tpu.memory_space<semaphore_mem>>
    %dma_start3A_395 = tpu.memref_squeeze %dma_start3A_394 : memref<1x!tpu.dma_semaphore, #tpu.memory_space<semaphore_mem>> -> memref<!tpu.dma_semaphore, #tpu.memory_space<semaphore_mem>>
    %dma_start3A_396 = arith.constant 0 : i32
    %dma_start3A_397 = tpu.memref_slice %arg4[%add3A_385, %dma_start3A_396] : memref<8192x1024xf32, #tpu.memory_space<hbm>> -> memref<32x1024xf32, #tpu.memory_space<hbm>>
    %dma_start3A_398 = arith.constant 0 : i32
    %dma_start3A_399 = arith.constant 0 : i32
    %dma_start3A_400 = tpu.memref_slice %arg6[%dma_start3A_386, %dma_start3A_398, %dma_start3A_399] : memref<3x32x1024xf32, #tpu.memory_space<vmem>> -> memref<1x32x1024xf32, #tpu.memory_space<vmem>>
    %dma_start3A_401 = tpu.memref_squeeze %dma_start3A_400 : memref<1x32x1024xf32, #tpu.memory_space<vmem>> -> memref<32x1024xf32, #tpu.memory_space<vmem>>
    tpu.enqueue_dma source(%dma_start3A_401 : memref<32x1024xf32, #tpu.memory_space<vmem>>) target(%dma_start3A_397 : memref<32x1024xf32, #tpu.memory_space<hbm>>) target_semaphore(%dma_start3A_395 : memref<!tpu.dma_semaphore, #tpu.memory_space<semaphore_mem>>)
    %dma_wait3A_402 = arith.constant 1 : i32
    %dma_wait3A_403 = arith.constant 1 : i32
    %dma_wait3A_404 = arith.constant 0 : i32
    %dma_wait3A_405 = arith.constant 0 : i32
    %dma_wait3A_406 = tpu.memref_slice %arg6[%dma_wait3A_402, %dma_wait3A_404, %dma_wait3A_405] : memref<3x32x1024xf32, #tpu.memory_space<vmem>> -> memref<1x32x1024xf32, #tpu.memory_space<vmem>>
    %dma_wait3A_407 = tpu.memref_squeeze %dma_wait3A_406 : memref<1x32x1024xf32, #tpu.memory_space<vmem>> -> memref<32x1024xf32, #tpu.memory_space<vmem>>
    %dma_wait3A_408 = arith.constant 224 : i32
    %dma_wait3A_409 = tpu.memref_slice %arg5[%dma_wait3A_408] : memref<256xi32, #tpu.memory_space<vmem>> -> memref<32xi32, #tpu.memory_space<vmem>>
    %dma_wait3A_410 = arith.constant 0 : i32
    %dma_wait3A_411 = arith.constant 0 : i32
    %dma_wait3A_412 = tpu.memref_slice %arg2[%dma_wait3A_410, %dma_wait3A_411] : memref<100000x1024xf32, #tpu.memory_space<hbm>> -> memref<100000x1024xf32, #tpu.memory_space<hbm>>
    %dma_wait3A_413 = tpu.memref_slice %arg7[%dma_wait3A_403] : memref<3x!tpu.dma_semaphore, #tpu.memory_space<semaphore_mem>> -> memref<1x!tpu.dma_semaphore, #tpu.memory_space<semaphore_mem>>
    %dma_wait3A_414 = tpu.memref_squeeze %dma_wait3A_413 : memref<1x!tpu.dma_semaphore, #tpu.memory_space<semaphore_mem>> -> memref<!tpu.dma_semaphore, #tpu.memory_space<semaphore_mem>>
    tpu.wait_indirect_dma semaphore(%dma_wait3A_414 : memref<!tpu.dma_semaphore, #tpu.memory_space<semaphore_mem>>) src(%dma_wait3A_412 : memref<100000x1024xf32, #tpu.memory_space<hbm>>) dst(%dma_wait3A_407 : memref<32x1024xf32, #tpu.memory_space<vmem>>)
    %add3A_415 = arith.constant 224 : i32
    %add3A_416 = arith.addi %mul3A_2, %add3A_415 : i32
    %dma_start3A_417 = arith.constant 1 : i32
    %dma_start3A_418 = arith.constant 1 : i32
    %dma_start3A_419 = arith.constant 0 : i32
    %dma_start3A_420 = arith.constant 0 : i32
    %dma_start3A_421 = tpu.memref_slice %arg6[%dma_start3A_417, %dma_start3A_419, %dma_start3A_420] : memref<3x32x1024xf32, #tpu.memory_space<vmem>> -> memref<1x32x1024xf32, #tpu.memory_space<vmem>>
    %dma_start3A_422 = tpu.memref_squeeze %dma_start3A_421 : memref<1x32x1024xf32, #tpu.memory_space<vmem>> -> memref<32x1024xf32, #tpu.memory_space<vmem>>
    %dma_start3A_423 = arith.constant 0 : i32
    %dma_start3A_424 = tpu.memref_slice %arg4[%add3A_416, %dma_start3A_423] : memref<8192x1024xf32, #tpu.memory_space<hbm>> -> memref<32x1024xf32, #tpu.memory_space<hbm>>
    %dma_start3A_425 = tpu.memref_slice %arg8[%dma_start3A_418] : memref<3x!tpu.dma_semaphore, #tpu.memory_space<semaphore_mem>> -> memref<1x!tpu.dma_semaphore, #tpu.memory_space<semaphore_mem>>
    %dma_start3A_426 = tpu.memref_squeeze %dma_start3A_425 : memref<1x!tpu.dma_semaphore, #tpu.memory_space<semaphore_mem>> -> memref<!tpu.dma_semaphore, #tpu.memory_space<semaphore_mem>>
    %dma_start3A_427 = arith.constant 0 : i32
    %dma_start3A_428 = tpu.memref_slice %arg4[%add3A_416, %dma_start3A_427] : memref<8192x1024xf32, #tpu.memory_space<hbm>> -> memref<32x1024xf32, #tpu.memory_space<hbm>>
    %dma_start3A_429 = arith.constant 0 : i32
    %dma_start3A_430 = arith.constant 0 : i32
    %dma_start3A_431 = tpu.memref_slice %arg6[%dma_start3A_417, %dma_start3A_429, %dma_start3A_430] : memref<3x32x1024xf32, #tpu.memory_space<vmem>> -> memref<1x32x1024xf32, #tpu.memory_space<vmem>>
    %dma_start3A_432 = tpu.memref_squeeze %dma_start3A_431 : memref<1x32x1024xf32, #tpu.memory_space<vmem>> -> memref<32x1024xf32, #tpu.memory_space<vmem>>
    tpu.enqueue_dma source(%dma_start3A_432 : memref<32x1024xf32, #tpu.memory_space<vmem>>) target(%dma_start3A_428 : memref<32x1024xf32, #tpu.memory_space<hbm>>) target_semaphore(%dma_start3A_426 : memref<!tpu.dma_semaphore, #tpu.memory_space<semaphore_mem>>)
    %dma_wait3A_433 = arith.constant 2 : i32
    %dma_wait3A_434 = arith.constant 2 : i32
    %dma_wait3A_435 = arith.constant 0 : i32
    %dma_wait3A_436 = arith.constant 0 : i32
    %dma_wait3A_437 = tpu.memref_slice %arg6[%dma_wait3A_433, %dma_wait3A_435, %dma_wait3A_436] : memref<3x32x1024xf32, #tpu.memory_space<vmem>> -> memref<1x32x1024xf32, #tpu.memory_space<vmem>>
    %dma_wait3A_438 = tpu.memref_squeeze %dma_wait3A_437 : memref<1x32x1024xf32, #tpu.memory_space<vmem>> -> memref<32x1024xf32, #tpu.memory_space<vmem>>
    %dma_wait3A_439 = arith.constant 0 : i32
    %dma_wait3A_440 = tpu.memref_slice %arg4[%add3A_354, %dma_wait3A_439] : memref<8192x1024xf32, #tpu.memory_space<hbm>> -> memref<32x1024xf32, #tpu.memory_space<hbm>>
    %dma_wait3A_441 = tpu.memref_slice %arg8[%dma_wait3A_434] : memref<3x!tpu.dma_semaphore, #tpu.memory_space<semaphore_mem>> -> memref<1x!tpu.dma_semaphore, #tpu.memory_space<semaphore_mem>>
    %dma_wait3A_442 = tpu.memref_squeeze %dma_wait3A_441 : memref<1x!tpu.dma_semaphore, #tpu.memory_space<semaphore_mem>> -> memref<!tpu.dma_semaphore, #tpu.memory_space<semaphore_mem>>
    %dma_wait3A_443 = arith.constant 0 : i32
    %dma_wait3A_444 = tpu.memref_slice %arg4[%add3A_354, %dma_wait3A_443] : memref<8192x1024xf32, #tpu.memory_space<hbm>> -> memref<32x1024xf32, #tpu.memory_space<hbm>>
    %dma_wait3A_445 = arith.constant 0 : i32
    %dma_wait3A_446 = arith.constant 0 : i32
    %dma_wait3A_447 = tpu.memref_slice %arg6[%dma_wait3A_433, %dma_wait3A_445, %dma_wait3A_446] : memref<3x32x1024xf32, #tpu.memory_space<vmem>> -> memref<1x32x1024xf32, #tpu.memory_space<vmem>>
    %dma_wait3A_448 = tpu.memref_squeeze %dma_wait3A_447 : memref<1x32x1024xf32, #tpu.memory_space<vmem>> -> memref<32x1024xf32, #tpu.memory_space<vmem>>
    tpu.wait_dma2 semaphore(%dma_wait3A_442 : memref<!tpu.dma_semaphore, #tpu.memory_space<semaphore_mem>>) src(%dma_wait3A_448 : memref<32x1024xf32, #tpu.memory_space<vmem>>) dst(%dma_wait3A_444 : memref<32x1024xf32, #tpu.memory_space<hbm>>)
    %dma_wait3A_449 = arith.constant 0 : i32
    %dma_wait3A_450 = arith.constant 0 : i32
    %dma_wait3A_451 = arith.constant 0 : i32
    %dma_wait3A_452 = arith.constant 0 : i32
    %dma_wait3A_453 = tpu.memref_slice %arg6[%dma_wait3A_449, %dma_wait3A_451, %dma_wait3A_452] : memref<3x32x1024xf32, #tpu.memory_space<vmem>> -> memref<1x32x1024xf32, #tpu.memory_space<vmem>>
    %dma_wait3A_454 = tpu.memref_squeeze %dma_wait3A_453 : memref<1x32x1024xf32, #tpu.memory_space<vmem>> -> memref<32x1024xf32, #tpu.memory_space<vmem>>
    %dma_wait3A_455 = arith.constant 0 : i32
    %dma_wait3A_456 = tpu.memref_slice %arg4[%add3A_385, %dma_wait3A_455] : memref<8192x1024xf32, #tpu.memory_space<hbm>> -> memref<32x1024xf32, #tpu.memory_space<hbm>>
    %dma_wait3A_457 = tpu.memref_slice %arg8[%dma_wait3A_450] : memref<3x!tpu.dma_semaphore, #tpu.memory_space<semaphore_mem>> -> memref<1x!tpu.dma_semaphore, #tpu.memory_space<semaphore_mem>>
    %dma_wait3A_458 = tpu.memref_squeeze %dma_wait3A_457 : memref<1x!tpu.dma_semaphore, #tpu.memory_space<semaphore_mem>> -> memref<!tpu.dma_semaphore, #tpu.memory_space<semaphore_mem>>
    %dma_wait3A_459 = arith.constant 0 : i32
    %dma_wait3A_460 = tpu.memref_slice %arg4[%add3A_385, %dma_wait3A_459] : memref<8192x1024xf32, #tpu.memory_space<hbm>> -> memref<32x1024xf32, #tpu.memory_space<hbm>>
    %dma_wait3A_461 = arith.constant 0 : i32
    %dma_wait3A_462 = arith.constant 0 : i32
    %dma_wait3A_463 = tpu.memref_slice %arg6[%dma_wait3A_449, %dma_wait3A_461, %dma_wait3A_462] : memref<3x32x1024xf32, #tpu.memory_space<vmem>> -> memref<1x32x1024xf32, #tpu.memory_space<vmem>>
    %dma_wait3A_464 = tpu.memref_squeeze %dma_wait3A_463 : memref<1x32x1024xf32, #tpu.memory_space<vmem>> -> memref<32x1024xf32, #tpu.memory_space<vmem>>
    tpu.wait_dma2 semaphore(%dma_wait3A_458 : memref<!tpu.dma_semaphore, #tpu.memory_space<semaphore_mem>>) src(%dma_wait3A_464 : memref<32x1024xf32, #tpu.memory_space<vmem>>) dst(%dma_wait3A_460 : memref<32x1024xf32, #tpu.memory_space<hbm>>)
    %dma_wait3A_465 = arith.constant 1 : i32
    %dma_wait3A_466 = arith.constant 1 : i32
    %dma_wait3A_467 = arith.constant 0 : i32
    %dma_wait3A_468 = arith.constant 0 : i32
    %dma_wait3A_469 = tpu.memref_slice %arg6[%dma_wait3A_465, %dma_wait3A_467, %dma_wait3A_468] : memref<3x32x1024xf32, #tpu.memory_space<vmem>> -> memref<1x32x1024xf32, #tpu.memory_space<vmem>>
    %dma_wait3A_470 = tpu.memref_squeeze %dma_wait3A_469 : memref<1x32x1024xf32, #tpu.memory_space<vmem>> -> memref<32x1024xf32, #tpu.memory_space<vmem>>
    %dma_wait3A_471 = arith.constant 0 : i32
    %dma_wait3A_472 = tpu.memref_slice %arg4[%add3A_416, %dma_wait3A_471] : memref<8192x1024xf32, #tpu.memory_space<hbm>> -> memref<32x1024xf32, #tpu.memory_space<hbm>>
    %dma_wait3A_473 = tpu.memref_slice %arg8[%dma_wait3A_466] : memref<3x!tpu.dma_semaphore, #tpu.memory_space<semaphore_mem>> -> memref<1x!tpu.dma_semaphore, #tpu.memory_space<semaphore_mem>>
    %dma_wait3A_474 = tpu.memref_squeeze %dma_wait3A_473 : memref<1x!tpu.dma_semaphore, #tpu.memory_space<semaphore_mem>> -> memref<!tpu.dma_semaphore, #tpu.memory_space<semaphore_mem>>
    %dma_wait3A_475 = arith.constant 0 : i32
    %dma_wait3A_476 = tpu.memref_slice %arg4[%add3A_416, %dma_wait3A_475] : memref<8192x1024xf32, #tpu.memory_space<hbm>> -> memref<32x1024xf32, #tpu.memory_space<hbm>>
    %dma_wait3A_477 = arith.constant 0 : i32
    %dma_wait3A_478 = arith.constant 0 : i32
    %dma_wait3A_479 = tpu.memref_slice %arg6[%dma_wait3A_465, %dma_wait3A_477, %dma_wait3A_478] : memref<3x32x1024xf32, #tpu.memory_space<vmem>> -> memref<1x32x1024xf32, #tpu.memory_space<vmem>>
    %dma_wait3A_480 = tpu.memref_squeeze %dma_wait3A_479 : memref<1x32x1024xf32, #tpu.memory_space<vmem>> -> memref<32x1024xf32, #tpu.memory_space<vmem>>
    tpu.wait_dma2 semaphore(%dma_wait3A_474 : memref<!tpu.dma_semaphore, #tpu.memory_space<semaphore_mem>>) src(%dma_wait3A_480 : memref<32x1024xf32, #tpu.memory_space<vmem>>) dst(%dma_wait3A_476 : memref<32x1024xf32, #tpu.memory_space<hbm>>)
    return
  }
}

module attributes {stable_mosaic.version = 14 : i64} {
  func.func @body(%arg0: i32, %arg1: memref<8x1xf32, #tpu.memory_space<vmem>>, %arg2: memref<1x512xf32, #tpu.memory_space<vmem>>, %arg3: memref<1024x1024xf32, #tpu.memory_space<vmem>>, %arg4: memref<1x1024xf32, #tpu.memory_space<vmem>>, %arg5: memref<1024x1024xf32, #tpu.memory_space<vmem>>, %arg6: memref<1x1024xf32, #tpu.memory_space<vmem>>, %arg7: memref<8x1024xf32, #tpu.memory_space<vmem>>) attributes {dimension_semantics = [#tpu.dimension_semantics<arbitrary>], iteration_bounds = array<i64: 4>, scalar_prefetch = 0 : i64, scratch_operands = 0 : i64, tpu.core_type = #tpu.core_type<tc>, window_params = [{pipeline_mode = #tpu.pipeline_mode<synchronous>, transform_indices = @transform_0, window_bounds = array<i64: 8, 1>}, {pipeline_mode = #tpu.pipeline_mode<synchronous>, transform_indices = @transform_1, window_bounds = array<i64: 1, 512>}, {transform_indices = @transform_2, window_bounds = array<i64: 1024, 1024>}, {transform_indices = @transform_3, window_bounds = array<i64: 1, 1024>}, {transform_indices = @transform_4, window_bounds = array<i64: 1024, 1024>}, {pipeline_mode = #tpu.pipeline_mode<synchronous>, transform_indices = @transform_5, window_bounds = array<i64: 1, 1024>}, {pipeline_mode = #tpu.pipeline_mode<synchronous>, transform_indices = @transform_6, window_bounds = array<i64: 8, 1024>}]} {
    %get3A = arith.constant 0 : index
    %get3A_0 = arith.constant 0 : index
    %get3A_1 = vector.load %arg1[%get3A, %get3A_0] : memref<8x1xf32, #tpu.memory_space<vmem>>, vector<8x1xf32>
    %mul3A = arith.constant 1.000000e+03 : f32
    %mul3A_2 = vector.broadcast %mul3A : f32 to vector<8x1xf32>
    %mul3A_3 = arith.mulf %get3A_1, %mul3A_2 : vector<8x1xf32>
    %get3A_4 = arith.constant 0 : index
    %get3A_5 = arith.constant 0 : index
    %get3A_6 = vector.load %arg2[%get3A_4, %get3A_5] : memref<1x512xf32, #tpu.memory_space<vmem>>, vector<1x512xf32>
    %mul3A_7 = vector.broadcast %mul3A_3 : vector<8x1xf32> to vector<8x512xf32>
    %mul3A_8 = vector.broadcast %get3A_6 : vector<1x512xf32> to vector<8x512xf32>
    %mul3A_9 = arith.mulf %mul3A_7, %mul3A_8 : vector<8x512xf32>
    %cos3A = math.cos %mul3A_9 : vector<8x512xf32>
    %sin3A = math.sin %mul3A_9 : vector<8x512xf32>
    %get3A_10 = arith.constant 0 : index
    %get3A_11 = arith.constant 0 : index
    %get3A_12 = vector.load %arg3[%get3A_10, %get3A_11] : memref<1024x1024xf32, #tpu.memory_space<vmem>>, vector<512x1024xf32>
    %dot_general3A = arith.constant dense<0.000000e+00> : vector<8x1024xf32>
    %dot_general3A_13 = tpu.matmul %cos3A, %get3A_12, %dot_general3A {dimension_numbers = #tpu.dot_dimension_numbers<[1], [0], [0], [1], [0, 0, 1, 1], [], []>, transpose_lhs_hint = false} : vector<8x512xf32>, vector<512x1024xf32>, vector<8x1024xf32> -> vector<8x1024xf32>
    %get3A_14 = arith.constant 512 : index
    %get3A_15 = arith.constant 0 : index
    %get3A_16 = vector.load %arg3[%get3A_14, %get3A_15] : memref<1024x1024xf32, #tpu.memory_space<vmem>>, vector<512x1024xf32>
    %dot_general3A_17 = arith.constant dense<0.000000e+00> : vector<8x1024xf32>
    %dot_general3A_18 = tpu.matmul %sin3A, %get3A_16, %dot_general3A_17 {dimension_numbers = #tpu.dot_dimension_numbers<[1], [0], [0], [1], [0, 0, 1, 1], [], []>, transpose_lhs_hint = false} : vector<8x512xf32>, vector<512x1024xf32>, vector<8x1024xf32> -> vector<8x1024xf32>
    %add3A = arith.addf %dot_general3A_13, %dot_general3A_18 : vector<8x1024xf32>
    %get3A_19 = arith.constant 0 : index
    %get3A_20 = arith.constant 0 : index
    %get3A_21 = vector.load %arg4[%get3A_19, %get3A_20] : memref<1x1024xf32, #tpu.memory_space<vmem>>, vector<1x1024xf32>
    %add3A_22 = vector.broadcast %get3A_21 : vector<1x1024xf32> to vector<8x1024xf32>
    %add3A_23 = arith.addf %add3A, %add3A_22 : vector<8x1024xf32>
    %mul3A_24 = arith.constant 5.000000e-01 : f32
    %mul3A_25 = vector.broadcast %mul3A_24 : f32 to vector<8x1024xf32>
    %mul3A_26 = arith.mulf %mul3A_25, %add3A_23 : vector<8x1024xf32>
    %mul3A_27 = arith.constant 0.707106769 : f32
    %mul3A_28 = vector.broadcast %mul3A_27 : f32 to vector<8x1024xf32>
    %mul3A_29 = arith.mulf %add3A_23, %mul3A_28 : vector<8x1024xf32>
    %erf3A = math.erf %mul3A_29 : vector<8x1024xf32>
    %add3A_30 = arith.constant 1.000000e+00 : f32
    %add3A_31 = vector.broadcast %add3A_30 : f32 to vector<8x1024xf32>
    %add3A_32 = arith.addf %add3A_31, %erf3A : vector<8x1024xf32>
    %mul3A_33 = arith.mulf %mul3A_26, %add3A_32 : vector<8x1024xf32>
    %get3A_34 = arith.constant 0 : index
    %get3A_35 = arith.constant 0 : index
    %get3A_36 = vector.load %arg5[%get3A_34, %get3A_35] : memref<1024x1024xf32, #tpu.memory_space<vmem>>, vector<1024x1024xf32>
    %dot_general3A_37 = arith.constant dense<0.000000e+00> : vector<8x1024xf32>
    %dot_general3A_38 = tpu.matmul %mul3A_33, %get3A_36, %dot_general3A_37 {dimension_numbers = #tpu.dot_dimension_numbers<[1], [0], [0], [1], [0, 0, 1, 1], [], []>, transpose_lhs_hint = false} : vector<8x1024xf32>, vector<1024x1024xf32>, vector<8x1024xf32> -> vector<8x1024xf32>
    %eq3A = arith.constant 0 : i32
    %eq3A_39 = arith.cmpi eq, %arg0, %eq3A : i32
    %convert_element_type3A = arith.extui %eq3A_39 : i1 to i32
    %cond3A = arith.constant 0 : i32
    %cond3A_40 = arith.cmpi ne, %convert_element_type3A, %cond3A : i32
    scf.if %cond3A_40 {
      %get3A_45 = arith.constant 0 : index
      %get3A_46 = arith.constant 0 : index
      %get3A_47 = vector.load %arg6[%get3A_45, %get3A_46] : memref<1x1024xf32, #tpu.memory_space<vmem>>, vector<1x1024xf32>
      %add3A_48 = vector.broadcast %get3A_47 : vector<1x1024xf32> to vector<8x1024xf32>
      %add3A_49 = arith.addf %dot_general3A_38, %add3A_48 : vector<8x1024xf32>
      %swap3A = arith.constant 0 : index
      %swap3A_50 = arith.constant 0 : index
      %swap3A_51 = vector.load %arg7[%swap3A, %swap3A_50] : memref<8x1024xf32, #tpu.memory_space<vmem>>, vector<8x1024xf32>
      tpu.vector_store %arg7[%swap3A, %swap3A_50], %add3A_49 {strides = array<i32>} : memref<8x1024xf32, #tpu.memory_space<vmem>>, vector<8x1024xf32>,
    } else {
    }
    %ne3A = arith.constant 0 : i32
    %ne3A_41 = arith.cmpi ne, %arg0, %ne3A : i32
    %convert_element_type3A_42 = arith.extui %ne3A_41 : i1 to i32
    %cond3A_43 = arith.constant 0 : i32
    %cond3A_44 = arith.cmpi ne, %convert_element_type3A_42, %cond3A_43 : i32
    scf.if %cond3A_44 {
      %get3A_45 = arith.constant 0 : index
      %get3A_46 = arith.constant 0 : index
      %get3A_47 = vector.load %arg7[%get3A_45, %get3A_46] : memref<8x1024xf32, #tpu.memory_space<vmem>>, vector<8x1024xf32>
      %add3A_48 = arith.addf %get3A_47, %dot_general3A_38 : vector<8x1024xf32>
      %swap3A = arith.constant 0 : index
      %swap3A_49 = arith.constant 0 : index
      %swap3A_50 = vector.load %arg7[%swap3A, %swap3A_49] : memref<8x1024xf32, #tpu.memory_space<vmem>>, vector<8x1024xf32>
      tpu.vector_store %arg7[%swap3A, %swap3A_49], %add3A_48 {strides = array<i32>} : memref<8x1024xf32, #tpu.memory_space<vmem>>, vector<8x1024xf32>,
    } else {
    }
    return
  }
  func.func @transform_0(%arg0: i32) -> (i32, i32) {
    %c0_i32 = arith.constant 0 : i32
    %c0_i32_0 = arith.constant 0 : i32
    %c0_i32_1 = arith.constant 0 : i32
    return %c0_i32, %c0_i32_0 : i32, i32
  }
  func.func @transform_1(%arg0: i32) -> (i32, i32) {
    %c0_i32 = arith.constant 0 : i32
    %c0_i32_0 = arith.constant 0 : i32
    %c0_i32_1 = arith.constant 0 : i32
    return %c0_i32, %c0_i32_0 : i32, i32
  }
  func.func @transform_2(%arg0: i32) -> (i32, i32) {
    %c0_i32 = arith.constant 0 : i32
    %c0_i32_0 = arith.constant 0 : i32
    return %c0_i32, %arg0 : i32, i32
  }
  func.func @transform_3(%arg0: i32) -> (i32, i32) {
    %c0_i32 = arith.constant 0 : i32
    %c0_i32_0 = arith.constant 0 : i32
    return %c0_i32, %arg0 : i32, i32
  }
  func.func @transform_4(%arg0: i32) -> (i32, i32) {
    %c0_i32 = arith.constant 0 : i32
    %c0_i32_0 = arith.constant 0 : i32
    return %arg0, %c0_i32 : i32, i32
  }
  func.func @transform_5(%arg0: i32) -> (i32, i32) {
    %c0_i32 = arith.constant 0 : i32
    %c0_i32_0 = arith.constant 0 : i32
    %c0_i32_1 = arith.constant 0 : i32
    return %c0_i32, %c0_i32_0 : i32, i32
  }
  func.func @transform_6(%arg0: i32) -> (i32, i32) {
    %c0_i32 = arith.constant 0 : i32
    %c0_i32_0 = arith.constant 0 : i32
    %c0_i32_1 = arith.constant 0 : i32
    return %c0_i32, %c0_i32_0 : i32, i32
  }
}

module attributes {stable_mosaic.version = 14 : i64} {
  func.func @body(%arg0: i32, %arg1: i32, %arg2: memref<1024x1024xf32, #tpu.memory_space<vmem>>, %arg3: memref<1024x1024xf32, #tpu.memory_space<vmem>>, %arg4: memref<1x1x1024xf32, #tpu.memory_space<vmem>>, %arg5: memref<1x1024xf32, #tpu.memory_space<vmem>>, %arg6: memref<1x1024xf32, #tpu.memory_space<vmem>>, %arg7: memref<1024x1024xf32, #tpu.memory_space<vmem>>) attributes {dimension_semantics = [#tpu.dimension_semantics<arbitrary>, #tpu.dimension_semantics<arbitrary>], iteration_bounds = array<i64: 2, 4>, scalar_prefetch = 0 : i64, scratch_operands = 0 : i64, tpu.core_type = #tpu.core_type<tc>, window_params = [{transform_indices = @transform_0, window_bounds = array<i64: 1024, 1024>}, {transform_indices = @transform_1, window_bounds = array<i64: 1024, 1024>}, {transform_indices = @transform_2, window_bounds = array<i64: 1, 1, 1024>}, {pipeline_mode = #tpu.pipeline_mode<synchronous>, transform_indices = @transform_3, window_bounds = array<i64: 1, 1024>}, {pipeline_mode = #tpu.pipeline_mode<synchronous>, transform_indices = @transform_4, window_bounds = array<i64: 1, 1024>}, {transform_indices = @transform_5, window_bounds = array<i64: 1024, 1024>}]} {
    %get3A = arith.constant 0 : index
    %get3A_0 = arith.constant 0 : index
    %get3A_1 = vector.load %arg2[%get3A, %get3A_0] : memref<1024x1024xf32, #tpu.memory_space<vmem>>, vector<1024x1024xf32>
    %mul3A = arith.constant 3.200000e+01 : f32
    %mul3A_2 = vector.broadcast %mul3A : f32 to vector<1024x1024xf32>
    %mul3A_3 = arith.mulf %get3A_1, %mul3A_2 : vector<1024x1024xf32>
    %get3A_4 = arith.constant 0 : index
    %get3A_5 = arith.constant 0 : index
    %get3A_6 = vector.load %arg3[%get3A_4, %get3A_5] : memref<1024x1024xf32, #tpu.memory_space<vmem>>, vector<1024x1024xf32>
    %add3A = arith.addf %mul3A_3, %get3A_6 : vector<1024x1024xf32>
    %get3A_7 = arith.constant 0 : index
    %get3A_8 = arith.constant 0 : index
    %get3A_9 = arith.constant 0 : index
    %get3A_10 = vector.load %arg4[%get3A_7, %get3A_8, %get3A_9] : memref<1x1x1024xf32, #tpu.memory_space<vmem>>, vector<1x1x1024xf32>
    %get3A_11 = vector.shape_cast %get3A_10 : vector<1x1x1024xf32> to vector<1x1024xf32>
    %add3A_12 = vector.broadcast %get3A_11 : vector<1x1024xf32> to vector<1024x1024xf32>
    %add3A_13 = arith.addf %add3A, %add3A_12 : vector<1024x1024xf32>
    %reduce_sum3A = arith.constant dense<0.000000e+00> : vector<1024xf32>
    %reduce_sum3A_14 = vector.multi_reduction <add>, %add3A_13, %reduce_sum3A [1] : vector<1024x1024xf32> to vector<1024xf32>
    %broadcast_in_dim3A = vector.shape_cast %reduce_sum3A_14 : vector<1024xf32> to vector<1024x1xf32>
    %div3A = arith.constant 1.024000e+03 : f32
    %div3A_15 = vector.broadcast %div3A : f32 to vector<1024x1xf32>
    %div3A_16 = arith.divf %broadcast_in_dim3A, %div3A_15 : vector<1024x1xf32>
    %sub3A = vector.broadcast %div3A_16 : vector<1024x1xf32> to vector<1024x1024xf32>
    %sub3A_17 = arith.subf %add3A_13, %sub3A : vector<1024x1024xf32>
    %mul3A_18 = arith.mulf %sub3A_17, %sub3A_17 : vector<1024x1024xf32>
    %reduce_sum3A_19 = arith.constant dense<0.000000e+00> : vector<1024xf32>
    %reduce_sum3A_20 = vector.multi_reduction <add>, %mul3A_18, %reduce_sum3A_19 [1] : vector<1024x1024xf32> to vector<1024xf32>
    %broadcast_in_dim3A_21 = vector.shape_cast %reduce_sum3A_20 : vector<1024xf32> to vector<1024x1xf32>
    %div3A_22 = arith.constant 1.024000e+03 : f32
    %div3A_23 = vector.broadcast %div3A_22 : f32 to vector<1024x1xf32>
    %div3A_24 = arith.divf %broadcast_in_dim3A_21, %div3A_23 : vector<1024x1xf32>
    %add3A_25 = arith.constant 9.99999974E-6 : f32
    %add3A_26 = vector.broadcast %add3A_25 : f32 to vector<1024x1xf32>
    %add3A_27 = arith.addf %div3A_24, %add3A_26 : vector<1024x1xf32>
    %rsqrt3A = math.rsqrt %add3A_27 : vector<1024x1xf32>
    %mul3A_28 = vector.broadcast %rsqrt3A : vector<1024x1xf32> to vector<1024x1024xf32>
    %mul3A_29 = arith.mulf %sub3A_17, %mul3A_28 : vector<1024x1024xf32>
    %get3A_30 = arith.constant 0 : index
    %get3A_31 = arith.constant 0 : index
    %get3A_32 = vector.load %arg5[%get3A_30, %get3A_31] : memref<1x1024xf32, #tpu.memory_space<vmem>>, vector<1x1024xf32>
    %mul3A_33 = vector.broadcast %get3A_32 : vector<1x1024xf32> to vector<1024x1024xf32>
    %mul3A_34 = arith.mulf %mul3A_29, %mul3A_33 : vector<1024x1024xf32>
    %get3A_35 = arith.constant 0 : index
    %get3A_36 = arith.constant 0 : index
    %get3A_37 = vector.load %arg6[%get3A_35, %get3A_36] : memref<1x1024xf32, #tpu.memory_space<vmem>>, vector<1x1024xf32>
    %add3A_38 = vector.broadcast %get3A_37 : vector<1x1024xf32> to vector<1024x1024xf32>
    %add3A_39 = arith.addf %mul3A_34, %add3A_38 : vector<1024x1024xf32>
    %swap3A = arith.constant 0 : index
    %swap3A_40 = arith.constant 0 : index
    %swap3A_41 = vector.load %arg7[%swap3A, %swap3A_40] : memref<1024x1024xf32, #tpu.memory_space<vmem>>, vector<1024x1024xf32>
    tpu.vector_store %arg7[%swap3A, %swap3A_40], %add3A_39 {strides = array<i32>} : memref<1024x1024xf32, #tpu.memory_space<vmem>>, vector<1024x1024xf32>,
    return
  }
  func.func @transform_0(%arg0: i32, %arg1: i32) -> (i32, i32) {
    %mul3A = arith.constant 2 : i32
    %mul3A_0 = arith.muli %arg1, %mul3A : i32
    %add3A = arith.addi %mul3A_0, %arg0 : i32
    %c0_i32 = arith.constant 0 : i32
    %c0_i32_1 = arith.constant 0 : i32
    return %add3A, %c0_i32 : i32, i32
  }
  func.func @transform_1(%arg0: i32, %arg1: i32) -> (i32, i32) {
    %c0_i32 = arith.constant 0 : i32
    %c0_i32_0 = arith.constant 0 : i32
    return %arg0, %c0_i32 : i32, i32
  }
  func.func @transform_2(%arg0: i32, %arg1: i32) -> (i32, i32, i32) {
    %c0_i32 = arith.constant 0 : i32
    %c0_i32_0 = arith.constant 0 : i32
    %c0_i32_1 = arith.constant 0 : i32
    return %arg1, %c0_i32, %c0_i32_0 : i32, i32, i32
  }
  func.func @transform_3(%arg0: i32, %arg1: i32) -> (i32, i32) {
    %c0_i32 = arith.constant 0 : i32
    %c0_i32_0 = arith.constant 0 : i32
    %c0_i32_1 = arith.constant 0 : i32
    return %c0_i32, %c0_i32_0 : i32, i32
  }
  func.func @transform_4(%arg0: i32, %arg1: i32) -> (i32, i32) {
    %c0_i32 = arith.constant 0 : i32
    %c0_i32_0 = arith.constant 0 : i32
    %c0_i32_1 = arith.constant 0 : i32
    return %c0_i32, %c0_i32_0 : i32, i32
  }
  func.func @transform_5(%arg0: i32, %arg1: i32) -> (i32, i32) {
    %mul3A = arith.constant 2 : i32
    %mul3A_0 = arith.muli %arg1, %mul3A : i32
    %add3A = arith.addi %mul3A_0, %arg0 : i32
    %c0_i32 = arith.constant 0 : i32
    %c0_i32_1 = arith.constant 0 : i32
    return %add3A, %c0_i32 : i32, i32
  }
}

</mosaic_0001>

<sc_bundles>
// kernel: kernel.5.cloned.1.call-start
scs
__scs_entry_jumppad:
0x0: {  	(pc) =	sbr.rel $0x88, $3  }
0x1: {  	(tag) =	ssettag $0x0;
	lr =	simm.s32 $0x1  }
0x2: {  	[smem:$0x3F98] =	sst lr;
	_ =	strace $0xD0000000  }
0x3: {  	_ = 	snop  }
0x4: {  	_ = 	snop  }
0x5: {  	_ = 	snop  }
0x6: {  	_ = 	snop  }
0x7: {  	_ = 	snop  }
__scs_overlays_trampoline_lowered:
0x8: {  	[smem:$0x3FA7] =	sst s0  }
0x9: {  	[smem:$0x3FA8] =	sst s1  }
0xa: {  	[smem:$0x3FA9] =	sst s2  }
0xb: {  	[smem:$0x3FAA] =	sst s3  }
0xc: {  	[smem:$0x3FAB] =	sst s4  }
0xd: {  	[smem:$0x3FAC] =	sst s5  }
0xe: {  	[smem:$0x3FAD] =	sst s6  }
0xf: {  	[smem:$0x3FAE] =	sst s7  }
0x10: {  	[smem:$0x3FAF] =	sst s8  }
0x11: {  	[smem:$0x3FB0] =	sst s9;
	s0 =	simm.s32 @!p0 $0x0  }
0x12: {  	s1 =	sld [smem:$0x3F96];
	s0 =	simm.s32 @p0 $0x1  }
0x13: {  	[smem:$0x3FB1] =	sst s0;
	s0 =	simm.s32 @!p1 $0x0  }
0x14: {  	s2 =	sld [smem:$0x3F95];
	s0 =	simm.s32 @p1 $0x1  }
0x15: {  	[smem:$0x3FB2] =	sst s0;
	s0 =	simm.s32 @!p2 $0x0  }
0x16: {  	s3 =	sld [smem:$0x3FDB];
	s0 =	simm.s32 @p2 $0x1  }
0x17: {  	s4 =	simm.s32 $0x1BF5;
	[smem:$0x3FB4] =	sst s0  }
0x18: {  	s0 =	sld [smem:$0x3F97];
	_ =	swait.ge [sflag:s4], $0x0  }
0x19: {  	s7 =	sld [smem:$0x3F98]  }
0x1a: {  	s8 =	sadd.s32 $0xFFFFE003, lr  }
0x1b: {  	s9 =	sadd.s32 $0xFFFFFEF7, lr;
	s5 =	simm.s32 $0xFFFFFFFF;
	p2 =	slt.u32 s8, $0xFFFFF086  }
0x1c: {  	p1 =	slt.u32 s9, $0xF7A;
	s5 =	simm.s32 @!p2 $0x0  }
0x1d: {  	s5 =	simm.s32 @p1 $0x1;
	p0 =	seq.s32 s7, s2  }
0x1e: {  	s7 =	smul.u32 @!p0 $0xF7A, s2;
	p2 =	seq.s32 @!p0 s5, $0x0  }
0x1f: {  	s9 =	smul.u32 $0xF7A, s1;
	s8 =	simm.s32 @!p0 $0x1BF5;
	p2 =	por !p2, p0  }
0x20: {  	[sflag:s8] =	ssyncset.s32 @!p0 $0xFFFFF086;
	s6 =	sadd.s32 @!p0 s3, s7;
	s7 =	simm.s32 @!p0 $0x108  }
0x21: {  	s3 =	sadd.s32 s3, s9;
	s6 =	sadd.s32 @!p0 $0x88, s6;
	s7 =	simm.s32 @p2 $0x1082  }
0x22: {  	[simem:s7], [sflag:s8] =	dma.local @!p0 [hbm:s6], $0xF7A  }
0x23: {  	s9 =	sor.u32 $0xD0000000, s2;
	s6 =	simm.s32 $0x108;
	_ =	swait.ge @!p0 [sflag:s8], $0x0  }
0x24: {  	s3 =	sadd.s32 $0x88, s3;
	s6 =	simm.s32 @!p1 $0x1082;
	[sflag:s4] =	ssyncset.s32 $0xFFFFF086  }
0x25: {  	[simem:s6], [sflag:s4] =	dma.local [hbm:s3], $0xF7A  }
0x26: {  	[smem:$0x3F98] =	sst s1;
	(tag) =	ssettag s2;
	_ =	strace s9  }
0x27: {  	s1 =	sld [smem:$0x3FA8]  }
0x28: {  	s2 =	sld [smem:$0x3FA9]  }
0x29: {  	s4 =	sld [smem:$0x3FAB]  }
0x2a: {  	p0 =	seq.s32 s5, $0x0;
	s5 =	sld [smem:$0x3FAC]  }
0x2b: {  	s6 =	sld [smem:$0x3FAD]  }
0x2c: {  	s7 =	sld [smem:$0x3FAE]  }
0x2d: {  	s3 =	simm.s32 $0x108;
	s8 =	sld [smem:$0x3FAF]  }
0x2e: {  	s3 =	simm.s32 @!p0 $0x1082;
	s9 =	sld [smem:$0x3FB0]  }
0x2f: {  	lr =	sadd.s32 s0, s3;
	s0 =	sld [smem:$0x3FA7]  }
0x30: {  	s3 =	sld [smem:$0x3FAA]  }
0x31: {  	[smem:$0x3FB3] =	sst s10  }
0x32: {  	s10 =	sld [smem:$0x3FB1];
	_ =	sdelay $0x3  }
0x33: {  	p0 =	seq.s32 s10, $0x1;
	s10 =	sld [smem:$0x3FB3];
	_ =	sdelay $0x3  }
0x34: {  	[smem:$0x3FB3] =	sst s10  }
0x35: {  	s10 =	sld [smem:$0x3FB2];
	_ =	sdelay $0x3  }
0x36: {  	p1 =	seq.s32 s10, $0x1;
	s10 =	sld [smem:$0x3FB3];
	_ =	sdelay $0x3  }
0x37: {  	[smem:$0x3FB3] =	sst s10  }
0x38: {  	s10 =	sld [smem:$0x3FB4]  }
0x39: {  	_ = 	snop;
	(pc) =	sbr.ind lr, $3  }
0x3a: {  	_ = 	snop  }
0x3b: {  	_ = 	snop  }
0x3c: {  	p2 =	seq.s32 s10, $0x1;
	s10 =	sld [smem:$0x3FB3]  }
0x3d: {  	_ =	shalt  }
0x3e: {  	_ =	shalt  }
0x3f: {  	_ =	shalt  }
0x40: {  	_ =	shalt  }
0x41: {  	_ =	shalt  }
0x42: {  	_ =	shalt  }
0x43: {  	_ =	shalt  }
0x44: {  	_ =	shalt  }
0x45: {  	_ =	shalt  }
0x46: {  	_ =	shalt  }
0x47: {  	_ =	shalt  }
0x48: {  	_ =	shalt  }
0x49: {  	_ =	shalt  }
0x4a: {  	_ =	shalt  }
0x4b: {  	_ =	shalt  }
0x4c: {  	_ =	shalt  }
0x4d: {  	_ =	shalt  }
0x4e: {  	_ =	shalt  }
0x4f: {  	_ =	shalt  }
0x50: {  	_ =	shalt  }
0x51: {  	_ =	shalt  }
0x52: {  	_ =	shalt  }
0x53: {  	_ =	shalt  }
0x54: {  	_ =	shalt  }
0x55: {  	_ =	shalt  }
0x56: {  	_ =	shalt  }
0x57: {  	_ =	shalt  }
0x58: {  	_ =	shalt  }
0x59: {  	_ =	shalt  }
0x5a: {  	_ =	shalt  }
0x5b: {  	_ =	shalt  }
0x5c: {  	_ =	shalt  }
0x5d: {  	_ =	shalt  }
0x5e: {  	_ =	shalt  }
0x5f: {  	_ =	shalt  }
0x60: {  	_ =	shalt  }
0x61: {  	_ =	shalt  }
0x62: {  	_ =	shalt  }
0x63: {  	_ =	shalt  }
0x64: {  	_ =	shalt  }
0x65: {  	_ =	shalt  }
0x66: {  	_ =	shalt  }
0x67: {  	_ =	shalt  }
0x68: {  	_ =	shalt  }
0x69: {  	_ =	shalt  }
0x6a: {  	_ =	shalt  }
0x6b: {  	_ =	shalt  }
0x6c: {  	_ =	shalt  }
0x6d: {  	_ =	shalt  }
0x6e: {  	_ =	shalt  }
0x6f: {  	_ =	shalt  }
0x70: {  	_ =	shalt  }
0x71: {  	_ =	shalt  }
0x72: {  	_ =	shalt  }
0x73: {  	_ =	shalt  }
0x74: {  	_ =	shalt  }
0x75: {  	_ =	shalt  }
0x76: {  	_ =	shalt  }
0x77: {  	_ =	shalt  }
0x78: {  	_ =	shalt  }
0x79: {  	_ =	shalt  }
0x7a: {  	_ =	shalt  }
0x7b: {  	_ =	shalt  }
0x7c: {  	_ =	shalt  }
0x7d: {  	_ =	shalt  }
0x7e: {  	_ =	shalt  }
0x7f: {  	_ =	shalt  }
0x80: {  	_ =	shalt  }
0x81: {  	_ =	shalt  }
0x82: {  	_ =	shalt  }
0x83: {  	_ =	shalt  }
0x84: {  	_ =	shalt  }
0x85: {  	_ =	shalt  }
0x86: {  	_ =	shalt  }
0x87: {  	_ =	shalt  }
.Lfunc_end0:
.L_simem_size_0:
called_computation_lowered:
.L_overlay_start_0:
0x88: {  	s2 =	sld [smem:$0x3FD9]  }
0x89: {  	s3 =	sld [smem:$0x3FFE];
	_ =	sdelay $0x1  }
0x8a: {  	s1 =	srdreg.scid  }
0x8b: {  	s0 =	sand.u32 $0x1, s1  }
0x8c: {  	s17 =	sshll.u32 s0, $0xA;
	s2 =	sadd.s32 s3, s2  }
0x8d: {  	s2 =	sadd.s32 s2, s17  }
0x8e: {  	[smem:$0x3FBF] =	sst s2  }
0x8f: {  	_ = 	snop  }
0x90: {  	s2 =	sld [smem:$0x3FC7]  }
0x91: {  	s18 =	sld [smem:$0x3FD0];
	(tm) =	ssettm $0x1  }
0x92: {  	s4 =	sld [smem:$0x3FFB];
	_ =	sdelay $0x3  }
0x93: {  	_ =	strace s4  }
0x94: {  	s4 =	sld [smem:$0x3FFC];
	_ =	sdelay $0x3  }
0x95: {  	_ =	strace s4  }
0x96: {  	s4 =	sld [smem:$0x3FFD];
	_ =	sdelay $0x3  }
0x97: {  	_ =	strace s4  }
0x98: {  	_ =	strace $0x8FFFFFFF  }
0x99: {  	s19 =	sld [smem:$0x3FDB];
	_ =	sdelay $0x1  }
0x9a: {  	s5 =	simm.s32 $_scs_section_size  }
0x9b: {  	s6 =	simm.s32 $_size__tile_overlayer_lowered;
	s7 =	simm.s32 $_tile_overlayer_lowered  }
0x9c: {  	s22 =	simm.s32 $0x1BFF;
	s21 =	sshll.u32 s7, $0x1;
	s4 =	sadd.s32 s5, s19  }
0x9d: {  	s8 =	simm.s32 $0x0;
	s20 =	sshll.u32 s6, $0x1;
	s6 =	sadd.s32 s21, s4  }
0x9e: {  	[timem:s8], [sflag:s22] =	dma.local [hbm:s6], s20  }
0x9f: {  	_ =	swait.ge [sflag:s22], s20  }
0xa0: {  	s5 =	ssub.s32 $0x0, s20;
	[sflag:s22] =	ssyncset.done $0x0  }
0xa1: {  	[sflag:s22] =	ssyncadd.s32 s5;
	_ =	sdelay $0x1  }
0xa2: {  	s23 =	simm.s32 $0x1B8B  }
0xa3: {  	_ =	swait.ge [sflag:s23], $0x1  }
0xa4: {  	[sflag:s23] =	ssyncset.done $0x0  }
0xa5: {  	s25 =	simm.s32 $0x1B8E;
	s24 =	sld [smem:$0x3FFE];
	[sflag:s23] =	ssyncadd.s32 $0xFFFFFFFF  }
0xa6: {  	s26 =	simm.s32 $execute0_lowered;
	[smem:$0x3FD2] =	sst s25  }
0xa7: {  	s6 =	sshll.u32 s26, $0x1;
	_ =	strace $0x80000046;
	[dreg:$0x1] =	wrdreg $0xFFFFFFFF  }
0xa8: {  	s28 =	simm.s32 $_size_execute0_lowered;
	s4 =	sadd.s32 s4, s6;
	[dreg:$0x0] =	wrdreg $0x0  }
0xa9: {  	s6 =	sshll.u32 s28, $0x1;
	[dreg:$0x2] =	wrdreg s4  }
0xaa: {  	[dreg:$0x3] =	wrdreg s6  }
0xab: {  	[dreg:$0x4] =	wrdreg $0xC0  }
0xac: {  	_ =	task [dreg:s8], $0x5FFFF  }
0xad: {  	[dreg:$0x1] =	wrdreg $0xFFFFFFFF  }
0xae: {  	[dreg:$0x0] =	wrdreg $0x60  }
0xaf: {  	[dreg:$0x2] =	wrdreg s2  }
0xb0: {  	[dreg:$0x3] =	wrdreg s18  }
0xb1: {  	[dreg:$0x4] =	wrdreg s24  }
0xb2: {  	[dreg:$0x5] =	wrdreg $0x9  }
0xb3: {  	_ =	task.clear_ibuf [dreg:s8], $0x6FFFF;
	_ =	strace $0x90000046  }
0xb4: {  	s29 =	simm.s32 $0x9;
	_ =	strace $0x80000048  }
0xb5: {  	_ =	swait.ge [sflag:s29], $0x1  }
0xb6: {  	[sflag:s29] =	ssyncadd.s32 $0xFFFFFFFF  }
0xb7: {  	_ =	strace $0x90000048  }
0xb8: {  	_ =	sfence  }
0xb9: {  	s30 =	sld [smem:$0x0];
	_ =	sdelay $0x2  }
0xba: {  	s31 =	sshll.u32 s1, $0xD;
	s1 =	sshrl.u32 s1, $0x2  }
0xbb: {  	s3 =	sand.u32 $0x4000, s31;
	s1 =	sadd.s32 s1, s30  }
0xbc: {  	s0 =	sor.u32 s3, s0;
	s1 =	sshll.u32 s1, $0x11  }
0xbd: {  	s0 =	sor.u32 s1, s0  }
0xbe: {  	s0 =	sadd.s32 $0x8F2B, s0  }
0xbf: {  	[sflag:s0] =	ssyncadd.remote.s32 $0x1  }
0xc0: {  	_ =	sfence.sel $0xFFFF  }
0xc1: {  	[dreg:$0x0] =	wrdreg $0xFFFFFFFF;
	(pc) =	sbr.abs _section_cstart, $3  }
0xc2: {  	[dreg:$0x1] =	wrdreg $0xFFFFFFFF  }
0xc3: {  	_ =	task.clear_ibuf [dreg:s8], $0x2FFFF;
	_ =	strace $0x9FFFFFFF  }
0xc4: {  	(tm) =	ssettm $0x7FFFFFFF  }
0xc5: {  	_ =	shalt  }
tec
execute0_lowered:
.L_overlay_start_1:
0x0: {  	(tag) =	ssettag $0x1  }
0x1: {  	s1 =	rddreg [dreg:$0x0];
	s0 =	srdreg.scid  }
0x2: {  	s2 =	rddreg [dreg:$0x1];
	s3 =	stileid.u32  }
0x3: {  	s4 =	rddreg [dreg:$0x2];
	s31 =	simm.s32 $0x3;
	s9 =	simm.s32 $0x11900  }
0x4: {  	s10 =	simm.s32 $0x12100;
	s11 =	simm.s32 $0x12900;
	s12 =	simm.s32 $0x13100  }
0x5: {  	s13 =	simm.s32 $0x13900;
	s14 =	simm.s32 $0x14100;
	s15 =	simm.s32 $0x14900  }
0x6: {  	s16 =	simm.s32 $0x15100;
	s17 =	simm.s32 $0x15900;
	s0 =	sand.u32 $0x1, s0  }
0x7: {  	s28 =	simm.s32 $0x16900;
	s5 =	sshll.u32 s3, $0x9;
	s6 =	sshll.u32 s0, $0x8  }
0x8: {  	s29 =	simm.s32 $0x17100;
	s30 =	simm.s32 $0x17900;
	s5 =	sor.u32 s6, s5  }
0x9: {  	s3 =	simm.s32 $0x0;
	s6 =	sshll.u32 s5, $0x7;
	s5 =	sshrl.u32 s5, $0x3  }
0xa: {  	[smem:$0x7FF] =	sst s3;
	s7 =	sadd.s32 s6, s4;
	s2 =	sadd.s32 s2, s5  }
0xb: {  	_ =	strace $0x80000047;
	[dreg:$0x4] =	wrdreg s2;
	s18 =	sadd.s32 $0xC00, s7  }
0xc: {  	s0 =	ssub.s32 $0x2, s0;
	s19 =	sadd.s32 $0x1C00, s7;
	[dreg:$0x5] =	wrdreg s18  }
0xd: {  	s21 =	sshrl.u32 s0, $0x1;
	s20 =	sadd.s32 $0x2C00, s7;
	[dreg:$0x6] =	wrdreg s19  }
0xe: {  	s0 =	ssub.s32 s0, s21;
	s22 =	sadd.s32 $0x3C00, s7;
	[dreg:$0x7] =	wrdreg s20  }
0xf: {  	s21 =	simm.s32 $0x5;
	s23 =	sadd.s32 $0x4C00, s7;
	[dreg:$0x8] =	wrdreg s22  }
0x10: {  	s4 =	sadd.s32 $0x100, s1;
	s24 =	sadd.s32 $0x5C00, s7;
	[dreg:$0x9] =	wrdreg s23  }
0x11: {  	s5 =	sadd.s32 $0x200, s1;
	s25 =	sadd.s32 $0x6C00, s7;
	[dreg:$0xa] =	wrdreg s24  }
0x12: {  	s6 =	sadd.s32 $0x300, s1;
	s26 =	sadd.s32 $0x7C00, s7;
	[dreg:$0xb] =	wrdreg s25  }
0x13: {  	v2 =	vlaneseq.u32;
	s7 =	smax.u32 s0, $0x1;
	[dreg:$0xc] =	wrdreg s26;
	s18 =	simm.s32 $0x1  }
0x14: {  	vm0 =	vmmov $0xffff;
	v1 =	vshrl.u32 v2, $0x3;
	s19 =	simm.s32 $0x4;
	s20 =	simm.s32 $0x2;
	s23 =	simm.s32 $0x6  }
0x15: {  	v0 =	vand.u32 $0x7, v2;
	v2 =	vor.u32 $0x8, v2;
	v1 =	vmul.u32 $0x8, v1;
	s25 =	simm.s32 $0x100;
	s22 =	simm.s32 $0x10900;
	s26 =	simm.s32 $0x16100  }
.LBB2_1:
0x16: {  	s24 =	rddreg [dreg:$0x4];
	s8 =	simm.s32 $0x7  }
0x17: {  	[tilespmem:s3], [sflag:$0x7] =	stream.linear.gather [hbm4b:s24+s3], $0x100, $0x38;
	[tilespmem:$0x18100] =	vst v63  }
0x18: {  	_ =	swait.ge [sflag:s8], $0x100  }
0x19: {  	[sflag:s8] =	ssyncset.done $0x0  }
0x1a: {  	[sflag:s8] =	ssyncadd.s32 $0xFFFFFF00  }
0x1b: {  	v3 =	vld [tilespmem:$0x0];
	_ =	sdelay $0x4  }
0x1c: {  	v4 =	vshll.u32 v3, $0x3  }
0x1d: {  	v3 =	vand.u32 $0x7, v3;
	v4 =	vand.u32 $0xFFFFFFC0, v4  }
0x1e: {  	v3 =	vor.u32 v3, v4  }
0x1f: {  	v4 =	vperm.xlane v3, v0;
	_ =	sdelay $0x1  }
0x20: {  	v4 =	vadd.s32 v1, v4;
	_ =	sdelay $0x4  }
0x21: {  	[tilespmem:s25], [sflag:$0x1] =	stream.indirect_vreg.gather [hbm4b:s1+s3], $0x80, v4, vm0, $0xb8;
	[tilespmem:$0x18100] =	vst v63  }
0x22: {  	s0 =	simm.s32 $0x900;
	v3 =	vperm.xlane v3, v2  }
0x23: {  	[tilespmem:s0], [sflag:$0x1] =	stream.indirect_vreg.gather [hbm4b:s4+s3], $0x80, v4, vm0, $0xb8;
	[tilespmem:$0x18100] =	vst v63  }
0x24: {  	s24 =	simm.s32 $0x1100;
	v3 =	vadd.s32 v1, v3  }
0x25: {  	[tilespmem:s24], [sflag:$0x1] =	stream.indirect_vreg.gather [hbm4b:s5+s3], $0x80, v4, vm0, $0xb8;
	[tilespmem:$0x18100] =	vst v63  }
0x26: {  	s2 =	simm.s32 $0x1900  }
0x27: {  	[tilespmem:s2], [sflag:$0x1] =	stream.indirect_vreg.gather [hbm4b:s6+s3], $0x80, v4, vm0, $0xb8;
	[tilespmem:$0x18100] =	vst v63  }
0x28: {  	s8 =	simm.s32 $0x2100  }
0x29: {  	[tilespmem:s8], [sflag:$0x1] =	stream.indirect_vreg.gather [hbm4b:s1+s3], $0x80, v3, vm0, $0xb8;
	[tilespmem:$0x18100] =	vst v63  }
0x2a: {  	s24 =	simm.s32 $0x2900  }
0x2b: {  	[tilespmem:s24], [sflag:$0x1] =	stream.indirect_vreg.gather [hbm4b:s4+s3], $0x80, v3, vm0, $0xb8;
	[tilespmem:$0x18100] =	vst v63  }
0x2c: {  	s2 =	simm.s32 $0x3100  }
0x2d: {  	[tilespmem:s2], [sflag:$0x1] =	stream.indirect_vreg.gather [hbm4b:s5+s3], $0x80, v3, vm0, $0xb8;
	[tilespmem:$0x18100] =	vst v63  }
0x2e: {  	s8 =	simm.s32 $0x3900  }
0x2f: {  	[tilespmem:s8], [sflag:$0x1] =	stream.indirect_vreg.gather [hbm4b:s6+s3], $0x80, v3, vm0, $0xb8;
	[tilespmem:$0x18100] =	vst v63  }
0x30: {  	v3 =	vld [tilespmem:$0x10];
	_ =	sdelay $0x4  }
0x31: {  	v49 =	vshll.u32 v3, $0x3  }
0x32: {  	v3 =	vand.u32 $0x7, v3;
	v4 =	vand.u32 $0xFFFFFFC0, v49  }
0x33: {  	v3 =	vor.u32 v3, v4  }
0x34: {  	v4 =	vperm.xlane v3, v0;
	_ =	sdelay $0x1  }
0x35: {  	v4 =	vadd.s32 v1, v4;
	_ =	sdelay $0x3  }
0x36: {  	s24 =	simm.s32 $0x4100  }
0x37: {  	[tilespmem:s24], [sflag:$0x1] =	stream.indirect_vreg.gather [hbm4b:s1+s3], $0x80, v4, vm0, $0xb8;
	[tilespmem:$0x18100] =	vst v63  }
0x38: {  	s2 =	simm.s32 $0x4900;
	v3 =	vperm.xlane v3, v2  }
0x39: {  	[tilespmem:s2], [sflag:$0x1] =	stream.indirect_vreg.gather [hbm4b:s4+s3], $0x80, v4, vm0, $0xb8;
	[tilespmem:$0x18100] =	vst v63  }
0x3a: {  	s8 =	simm.s32 $0x5100;
	v3 =	vadd.s32 v1, v3  }
0x3b: {  	[tilespmem:s8], [sflag:$0x1] =	stream.indirect_vreg.gather [hbm4b:s5+s3], $0x80, v4, vm0, $0xb8;
	[tilespmem:$0x18100] =	vst v63  }
0x3c: {  	s24 =	simm.s32 $0x5900  }
0x3d: {  	[tilespmem:s24], [sflag:$0x1] =	stream.indirect_vreg.gather [hbm4b:s6+s3], $0x80, v4, vm0, $0xb8;
	[tilespmem:$0x18100] =	vst v63  }
0x3e: {  	s2 =	simm.s32 $0x6100  }
0x3f: {  	[tilespmem:s2], [sflag:$0x1] =	stream.indirect_vreg.gather [hbm4b:s1+s3], $0x80, v3, vm0, $0xb8;
	[tilespmem:$0x18100] =	vst v63  }
0x40: {  	s8 =	simm.s32 $0x6900  }
0x41: {  	[tilespmem:s8], [sflag:$0x1] =	stream.indirect_vreg.gather [hbm4b:s4+s3], $0x80, v3, vm0, $0xb8;
	[tilespmem:$0x18100] =	vst v63  }
0x42: {  	s24 =	simm.s32 $0x7100  }
0x43: {  	[tilespmem:s24], [sflag:$0x1] =	stream.indirect_vreg.gather [hbm4b:s5+s3], $0x80, v3, vm0, $0xb8;
	[tilespmem:$0x18100] =	vst v63  }
0x44: {  	s2 =	simm.s32 $0x7900  }
0x45: {  	[tilespmem:s2], [sflag:$0x1] =	stream.indirect_vreg.gather [hbm4b:s6+s3], $0x80, v3, vm0, $0xb8;
	[tilespmem:$0x18100] =	vst v63  }
0x46: {  	v3 =	vld [tilespmem:$0x20];
	_ =	sdelay $0x4  }
0x47: {  	v50 =	vshll.u32 v3, $0x3  }
0x48: {  	v3 =	vand.u32 $0x7, v3;
	v4 =	vand.u32 $0xFFFFFFC0, v50  }
0x49: {  	v3 =	vor.u32 v3, v4  }
0x4a: {  	v4 =	vperm.xlane v3, v0;
	_ =	sdelay $0x1  }
0x4b: {  	v4 =	vadd.s32 v1, v4;
	_ =	sdelay $0x3  }
0x4c: {  	s0 =	simm.s32 $0x8100  }
0x4d: {  	[tilespmem:s0], [sflag:$0x2] =	stream.indirect_vreg.gather [hbm4b:s1+s3], $0x80, v4, vm0, $0xb8;
	[tilespmem:$0x18100] =	vst v63  }
0x4e: {  	s2 =	simm.s32 $0x8900;
	v3 =	vperm.xlane v3, v2  }
0x4f: {  	[tilespmem:s2], [sflag:$0x2] =	stream.indirect_vreg.gather [hbm4b:s4+s3], $0x80, v4, vm0, $0xb8;
	[tilespmem:$0x18100] =	vst v63  }
0x50: {  	s8 =	simm.s32 $0x9100;
	v3 =	vadd.s32 v1, v3  }
0x51: {  	[tilespmem:s8], [sflag:$0x2] =	stream.indirect_vreg.gather [hbm4b:s5+s3], $0x80, v4, vm0, $0xb8;
	[tilespmem:$0x18100] =	vst v63  }
0x52: {  	s24 =	simm.s32 $0x9900  }
0x53: {  	[tilespmem:s24], [sflag:$0x2] =	stream.indirect_vreg.gather [hbm4b:s6+s3], $0x80, v4, vm0, $0xb8;
	[tilespmem:$0x18100] =	vst v63  }
0x54: {  	s8 =	simm.s32 $0xA100  }
0x55: {  	[tilespmem:s8], [sflag:$0x2] =	stream.indirect_vreg.gather [hbm4b:s1+s3], $0x80, v3, vm0, $0xb8;
	[tilespmem:$0x18100] =	vst v63  }
0x56: {  	s24 =	simm.s32 $0xA900  }
0x57: {  	[tilespmem:s24], [sflag:$0x2] =	stream.indirect_vreg.gather [hbm4b:s4+s3], $0x80, v3, vm0, $0xb8;
	[tilespmem:$0x18100] =	vst v63  }
0x58: {  	s8 =	simm.s32 $0xB100  }
0x59: {  	[tilespmem:s8], [sflag:$0x2] =	stream.indirect_vreg.gather [hbm4b:s5+s3], $0x80, v3, vm0, $0xb8;
	[tilespmem:$0x18100] =	vst v63  }
0x5a: {  	s24 =	simm.s32 $0xB900  }
0x5b: {  	[tilespmem:s24], [sflag:$0x2] =	stream.indirect_vreg.gather [hbm4b:s6+s3], $0x80, v3, vm0, $0xb8;
	[tilespmem:$0x18100] =	vst v63  }
0x5c: {  	v3 =	vld [tilespmem:$0x30];
	_ =	sdelay $0x4  }
0x5d: {  	v51 =	vshll.u32 v3, $0x3  }
0x5e: {  	v3 =	vand.u32 $0x7, v3;
	v4 =	vand.u32 $0xFFFFFFC0, v51  }
0x5f: {  	v3 =	vor.u32 v3, v4  }
0x60: {  	v4 =	vperm.xlane v3, v0;
	_ =	sdelay $0x1  }
0x61: {  	v4 =	vadd.s32 v1, v4;
	_ =	sdelay $0x3  }
0x62: {  	s8 =	simm.s32 $0xC100  }
0x63: {  	[tilespmem:s8], [sflag:$0x2] =	stream.indirect_vreg.gather [hbm4b:s1+s3], $0x80, v4, vm0, $0xb8;
	[tilespmem:$0x18100] =	vst v63  }
0x64: {  	s24 =	simm.s32 $0xC900;
	v3 =	vperm.xlane v3, v2  }
0x65: {  	[tilespmem:s24], [sflag:$0x2] =	stream.indirect_vreg.gather [hbm4b:s4+s3], $0x80, v4, vm0, $0xb8;
	[tilespmem:$0x18100] =	vst v63  }
0x66: {  	v3 =	vadd.s32 v1, v3;
	s8 =	simm.s32 $0xD100  }
0x67: {  	[tilespmem:s8], [sflag:$0x2] =	stream.indirect_vreg.gather [hbm4b:s5+s3], $0x80, v4, vm0, $0xb8;
	[tilespmem:$0x18100] =	vst v63  }
0x68: {  	s24 =	simm.s32 $0xD900  }
0x69: {  	[tilespmem:s24], [sflag:$0x2] =	stream.indirect_vreg.gather [hbm4b:s6+s3], $0x80, v4, vm0, $0xb8;
	[tilespmem:$0x18100] =	vst v63  }
0x6a: {  	s8 =	simm.s32 $0xE100  }
0x6b: {  	[tilespmem:s8], [sflag:$0x2] =	stream.indirect_vreg.gather [hbm4b:s1+s3], $0x80, v3, vm0, $0xb8;
	[tilespmem:$0x18100] =	vst v63  }
0x6c: {  	s24 =	simm.s32 $0xE900  }
0x6d: {  	[tilespmem:s24], [sflag:$0x2] =	stream.indirect_vreg.gather [hbm4b:s4+s3], $0x80, v3, vm0, $0xb8;
	[tilespmem:$0x18100] =	vst v63  }
0x6e: {  	s8 =	simm.s32 $0xF100  }
0x6f: {  	[tilespmem:s8], [sflag:$0x2] =	stream.indirect_vreg.gather [hbm4b:s5+s3], $0x80, v3, vm0, $0xb8;
	[tilespmem:$0x18100] =	vst v63  }
0x70: {  	s24 =	simm.s32 $0xF900  }
0x71: {  	[tilespmem:s24], [sflag:$0x2] =	stream.indirect_vreg.gather [hbm4b:s6+s3], $0x80, v3, vm0, $0xb8;
	[tilespmem:$0x18100] =	vst v63  }
0x72: {  	v3 =	vld [tilespmem:$0x40];
	_ =	sdelay $0x4  }
0x73: {  	v52 =	vshll.u32 v3, $0x3  }
0x74: {  	v3 =	vand.u32 $0x7, v3;
	v4 =	vand.u32 $0xFFFFFFC0, v52  }
0x75: {  	v3 =	vor.u32 v3, v4  }
0x76: {  	v4 =	vperm.xlane v3, v0;
	_ =	sdelay $0x1  }
0x77: {  	v4 =	vadd.s32 v1, v4;
	_ =	sdelay $0x3  }
0x78: {  	s2 =	simm.s32 $0x10100  }
0x79: {  	[tilespmem:s2], [sflag:$0x3] =	stream.indirect_vreg.gather [hbm4b:s1+s3], $0x80, v4, vm0, $0xb8;
	[tilespmem:$0x18100] =	vst v63  }
0x7a: {  	v3 =	vperm.xlane v3, v2  }
0x7b: {  	[tilespmem:s22], [sflag:$0x3] =	stream.indirect_vreg.gather [hbm4b:s4+s3], $0x80, v4, vm0, $0xb8;
	[tilespmem:$0x18100] =	vst v63  }
0x7c: {  	s8 =	simm.s32 $0x11100;
	v3 =	vadd.s32 v1, v3  }
0x7d: {  	[tilespmem:s8], [sflag:$0x3] =	stream.indirect_vreg.gather [hbm4b:s5+s3], $0x80, v4, vm0, $0xb8;
	[tilespmem:$0x18100] =	vst v63  }
0x7e: {  	_ = 	snop  }
0x7f: {  	[tilespmem:s9], [sflag:$0x3] =	stream.indirect_vreg.gather [hbm4b:s6+s3], $0x80, v4, vm0, $0xb8;
	[tilespmem:$0x18100] =	vst v63  }
0x80: {  	_ = 	snop  }
0x81: {  	[tilespmem:s10], [sflag:$0x3] =	stream.indirect_vreg.gather [hbm4b:s1+s3], $0x80, v3, vm0, $0xb8;
	[tilespmem:$0x18100] =	vst v63  }
0x82: {  	_ = 	snop  }
0x83: {  	[tilespmem:s11], [sflag:$0x3] =	stream.indirect_vreg.gather [hbm4b:s4+s3], $0x80, v3, vm0, $0xb8;
	[tilespmem:$0x18100] =	vst v63  }
0x84: {  	_ = 	snop  }
0x85: {  	[tilespmem:s12], [sflag:$0x3] =	stream.indirect_vreg.gather [hbm4b:s5+s3], $0x80, v3, vm0, $0xb8;
	[tilespmem:$0x18100] =	vst v63  }
0x86: {  	_ = 	snop  }
0x87: {  	[tilespmem:s13], [sflag:$0x3] =	stream.indirect_vreg.gather [hbm4b:s6+s3], $0x80, v3, vm0, $0xb8;
	[tilespmem:$0x18100] =	vst v63  }
0x88: {  	v3 =	vld [tilespmem:$0x50];
	_ =	sdelay $0x4  }
0x89: {  	v53 =	vshll.u32 v3, $0x3  }
0x8a: {  	v3 =	vand.u32 $0x7, v3;
	v4 =	vand.u32 $0xFFFFFFC0, v53  }
0x8b: {  	v3 =	vor.u32 v3, v4  }
0x8c: {  	v4 =	vperm.xlane v3, v0;
	_ =	sdelay $0x1  }
0x8d: {  	v4 =	vadd.s32 v1, v4;
	_ =	sdelay $0x4  }
0x8e: {  	[tilespmem:s14], [sflag:$0x3] =	stream.indirect_vreg.gather [hbm4b:s1+s3], $0x80, v4, vm0, $0xb8;
	[tilespmem:$0x18100] =	vst v63  }
0x8f: {  	v3 =	vperm.xlane v3, v2  }
0x90: {  	[tilespmem:s15], [sflag:$0x3] =	stream.indirect_vreg.gather [hbm4b:s4+s3], $0x80, v4, vm0, $0xb8;
	[tilespmem:$0x18100] =	vst v63  }
0x91: {  	v3 =	vadd.s32 v1, v3  }
0x92: {  	[tilespmem:s16], [sflag:$0x3] =	stream.indirect_vreg.gather [hbm4b:s5+s3], $0x80, v4, vm0, $0xb8;
	[tilespmem:$0x18100] =	vst v63  }
0x93: {  	_ = 	snop  }
0x94: {  	[tilespmem:s17], [sflag:$0x3] =	stream.indirect_vreg.gather [hbm4b:s6+s3], $0x80, v4, vm0, $0xb8;
	[tilespmem:$0x18100] =	vst v63  }
0x95: {  	_ = 	snop  }
0x96: {  	[tilespmem:s26], [sflag:$0x3] =	stream.indirect_vreg.gather [hbm4b:s1+s3], $0x80, v3, vm0, $0xb8;
	[tilespmem:$0x18100] =	vst v63  }
0x97: {  	_ = 	snop  }
0x98: {  	[tilespmem:s28], [sflag:$0x3] =	stream.indirect_vreg.gather [hbm4b:s4+s3], $0x80, v3, vm0, $0xb8;
	[tilespmem:$0x18100] =	vst v63  }
0x99: {  	_ = 	snop  }
0x9a: {  	[tilespmem:s29], [sflag:$0x3] =	stream.indirect_vreg.gather [hbm4b:s5+s3], $0x80, v3, vm0, $0xb8;
	[tilespmem:$0x18100] =	vst v63  }
0x9b: {  	_ = 	snop  }
0x9c: {  	[tilespmem:s30], [sflag:$0x3] =	stream.indirect_vreg.gather [hbm4b:s6+s3], $0x80, v3, vm0, $0xb8;
	[tilespmem:$0x18100] =	vst v63  }
0x9d: {  	_ =	swait.ge [sflag:s18], $0x8000  }
0x9e: {  	[sflag:s18] =	ssyncset.done $0x0  }
0x9f: {  	s24 =	rddreg [dreg:$0x5];
	[sflag:s18] =	ssyncadd.s32 $0xFFFF8000  }
0xa0: {  	[hbm4b:s24+s3] =	stream.linear.scatter [tilespmem:s25], [sflag:$0x4], $0x8000, $0x38;
	[tilespmem:$0x18100] =	vst v63  }
0xa1: {  	_ =	swait.ge [sflag:s19], $0x8000  }
0xa2: {  	[sflag:s19] =	ssyncset.done $0x0  }
0xa3: {  	[sflag:s19] =	ssyncadd.s32 $0xFFFF8000  }
0xa4: {  	v3 =	vld [tilespmem:$0x60];
	_ =	sdelay $0x4  }
0xa5: {  	v54 =	vshll.u32 v3, $0x3  }
0xa6: {  	v3 =	vand.u32 $0x7, v3;
	v4 =	vand.u32 $0xFFFFFFC0, v54  }
0xa7: {  	v3 =	vor.u32 v3, v4  }
0xa8: {  	v4 =	vperm.xlane v3, v0;
	_ =	sdelay $0x1  }
0xa9: {  	v4 =	vadd.s32 v1, v4;
	_ =	sdelay $0x4  }
0xaa: {  	[tilespmem:s25], [sflag:$0x1] =	stream.indirect_vreg.gather [hbm4b:s1+s3], $0x80, v4, vm0, $0xb8;
	[tilespmem:$0x18100] =	vst v63  }
0xab: {  	s24 =	simm.s32 $0x900;
	v3 =	vperm.xlane v3, v2  }
0xac: {  	[tilespmem:s24], [sflag:$0x1] =	stream.indirect_vreg.gather [hbm4b:s4+s3], $0x80, v4, vm0, $0xb8;
	[tilespmem:$0x18100] =	vst v63  }
0xad: {  	v3 =	vadd.s32 v1, v3;
	s24 =	simm.s32 $0x1100  }
0xae: {  	[tilespmem:s24], [sflag:$0x1] =	stream.indirect_vreg.gather [hbm4b:s5+s3], $0x80, v4, vm0, $0xb8;
	[tilespmem:$0x18100] =	vst v63  }
0xaf: {  	s24 =	simm.s32 $0x1900  }
0xb0: {  	[tilespmem:s24], [sflag:$0x1] =	stream.indirect_vreg.gather [hbm4b:s6+s3], $0x80, v4, vm0, $0xb8;
	[tilespmem:$0x18100] =	vst v63  }
0xb1: {  	s24 =	simm.s32 $0x2100  }
0xb2: {  	[tilespmem:s24], [sflag:$0x1] =	stream.indirect_vreg.gather [hbm4b:s1+s3], $0x80, v3, vm0, $0xb8;
	[tilespmem:$0x18100] =	vst v63  }
0xb3: {  	s24 =	simm.s32 $0x2900  }
0xb4: {  	[tilespmem:s24], [sflag:$0x1] =	stream.indirect_vreg.gather [hbm4b:s4+s3], $0x80, v3, vm0, $0xb8;
	[tilespmem:$0x18100] =	vst v63  }
0xb5: {  	s24 =	simm.s32 $0x3100  }
0xb6: {  	[tilespmem:s24], [sflag:$0x1] =	stream.indirect_vreg.gather [hbm4b:s5+s3], $0x80, v3, vm0, $0xb8;
	[tilespmem:$0x18100] =	vst v63  }
0xb7: {  	s24 =	simm.s32 $0x3900  }
0xb8: {  	[tilespmem:s24], [sflag:$0x1] =	stream.indirect_vreg.gather [hbm4b:s6+s3], $0x80, v3, vm0, $0xb8;
	[tilespmem:$0x18100] =	vst v63  }
0xb9: {  	v3 =	vld [tilespmem:$0x70];
	_ =	sdelay $0x4  }
0xba: {  	v55 =	vshll.u32 v3, $0x3  }
0xbb: {  	v3 =	vand.u32 $0x7, v3;
	v4 =	vand.u32 $0xFFFFFFC0, v55  }
0xbc: {  	v3 =	vor.u32 v3, v4  }
0xbd: {  	v4 =	vperm.xlane v3, v0;
	_ =	sdelay $0x1  }
0xbe: {  	v4 =	vadd.s32 v1, v4;
	_ =	sdelay $0x3  }
0xbf: {  	s24 =	simm.s32 $0x4100  }
0xc0: {  	[tilespmem:s24], [sflag:$0x1] =	stream.indirect_vreg.gather [hbm4b:s1+s3], $0x80, v4, vm0, $0xb8;
	[tilespmem:$0x18100] =	vst v63  }
0xc1: {  	v3 =	vperm.xlane v3, v2;
	s24 =	simm.s32 $0x4900  }
0xc2: {  	[tilespmem:s24], [sflag:$0x1] =	stream.indirect_vreg.gather [hbm4b:s4+s3], $0x80, v4, vm0, $0xb8;
	[tilespmem:$0x18100] =	vst v63  }
0xc3: {  	v3 =	vadd.s32 v1, v3;
	s24 =	simm.s32 $0x5100  }
0xc4: {  	[tilespmem:s24], [sflag:$0x1] =	stream.indirect_vreg.gather [hbm4b:s5+s3], $0x80, v4, vm0, $0xb8;
	[tilespmem:$0x18100] =	vst v63  }
0xc5: {  	s24 =	simm.s32 $0x5900  }
0xc6: {  	[tilespmem:s24], [sflag:$0x1] =	stream.indirect_vreg.gather [hbm4b:s6+s3], $0x80, v4, vm0, $0xb8;
	[tilespmem:$0x18100] =	vst v63  }
0xc7: {  	s24 =	simm.s32 $0x6100  }
0xc8: {  	[tilespmem:s24], [sflag:$0x1] =	stream.indirect_vreg.gather [hbm4b:s1+s3], $0x80, v3, vm0, $0xb8;
	[tilespmem:$0x18100] =	vst v63  }
0xc9: {  	s24 =	simm.s32 $0x6900  }
0xca: {  	[tilespmem:s24], [sflag:$0x1] =	stream.indirect_vreg.gather [hbm4b:s4+s3], $0x80, v3, vm0, $0xb8;
	[tilespmem:$0x18100] =	vst v63  }
0xcb: {  	s24 =	simm.s32 $0x7100  }
0xcc: {  	[tilespmem:s24], [sflag:$0x1] =	stream.indirect_vreg.gather [hbm4b:s5+s3], $0x80, v3, vm0, $0xb8;
	[tilespmem:$0x18100] =	vst v63  }
0xcd: {  	s24 =	simm.s32 $0x7900  }
0xce: {  	[tilespmem:s24], [sflag:$0x1] =	stream.indirect_vreg.gather [hbm4b:s6+s3], $0x80, v3, vm0, $0xb8;
	[tilespmem:$0x18100] =	vst v63  }
0xcf: {  	_ =	swait.ge [sflag:s20], $0x8000  }
0xd0: {  	[sflag:s20] =	ssyncset.done $0x0  }
0xd1: {  	s24 =	rddreg [dreg:$0x6];
	[sflag:s20] =	ssyncadd.s32 $0xFFFF8000  }
0xd2: {  	[hbm4b:s24+s3] =	stream.linear.scatter [tilespmem:s0], [sflag:$0x5], $0x8000, $0x38;
	[tilespmem:$0x18100] =	vst v63  }
0xd3: {  	_ =	swait.ge [sflag:s21], $0x8000  }
0xd4: {  	[sflag:s21] =	ssyncset.done $0x0  }
0xd5: {  	[sflag:s21] =	ssyncadd.s32 $0xFFFF8000  }
0xd6: {  	v3 =	vld [tilespmem:$0x80];
	_ =	sdelay $0x4  }
0xd7: {  	v56 =	vshll.u32 v3, $0x3  }
0xd8: {  	v3 =	vand.u32 $0x7, v3;
	v4 =	vand.u32 $0xFFFFFFC0, v56  }
0xd9: {  	v3 =	vor.u32 v3, v4  }
0xda: {  	v4 =	vperm.xlane v3, v0;
	_ =	sdelay $0x1  }
0xdb: {  	v4 =	vadd.s32 v1, v4;
	_ =	sdelay $0x4  }
0xdc: {  	[tilespmem:s0], [sflag:$0x2] =	stream.indirect_vreg.gather [hbm4b:s1+s3], $0x80, v4, vm0, $0xb8;
	[tilespmem:$0x18100] =	vst v63  }
0xdd: {  	s24 =	simm.s32 $0x8900;
	v3 =	vperm.xlane v3, v2  }
0xde: {  	[tilespmem:s24], [sflag:$0x2] =	stream.indirect_vreg.gather [hbm4b:s4+s3], $0x80, v4, vm0, $0xb8;
	[tilespmem:$0x18100] =	vst v63  }
0xdf: {  	v3 =	vadd.s32 v1, v3;
	s24 =	simm.s32 $0x9100  }
0xe0: {  	[tilespmem:s24], [sflag:$0x2] =	stream.indirect_vreg.gather [hbm4b:s5+s3], $0x80, v4, vm0, $0xb8;
	[tilespmem:$0x18100] =	vst v63  }
0xe1: {  	s24 =	simm.s32 $0x9900  }
0xe2: {  	[tilespmem:s24], [sflag:$0x2] =	stream.indirect_vreg.gather [hbm4b:s6+s3], $0x80, v4, vm0, $0xb8;
	[tilespmem:$0x18100] =	vst v63  }
0xe3: {  	s24 =	simm.s32 $0xA100  }
0xe4: {  	[tilespmem:s24], [sflag:$0x2] =	stream.indirect_vreg.gather [hbm4b:s1+s3], $0x80, v3, vm0, $0xb8;
	[tilespmem:$0x18100] =	vst v63  }
0xe5: {  	s24 =	simm.s32 $0xA900  }
0xe6: {  	[tilespmem:s24], [sflag:$0x2] =	stream.indirect_vreg.gather [hbm4b:s4+s3], $0x80, v3, vm0, $0xb8;
	[tilespmem:$0x18100] =	vst v63  }
0xe7: {  	s24 =	simm.s32 $0xB100  }
0xe8: {  	[tilespmem:s24], [sflag:$0x2] =	stream.indirect_vreg.gather [hbm4b:s5+s3], $0x80, v3, vm0, $0xb8;
	[tilespmem:$0x18100] =	vst v63  }
0xe9: {  	s24 =	simm.s32 $0xB900  }
0xea: {  	[tilespmem:s24], [sflag:$0x2] =	stream.indirect_vreg.gather [hbm4b:s6+s3], $0x80, v3, vm0, $0xb8;
	[tilespmem:$0x18100] =	vst v63  }
0xeb: {  	v3 =	vld [tilespmem:$0x90];
	_ =	sdelay $0x4  }
0xec: {  	v57 =	vshll.u32 v3, $0x3  }
0xed: {  	v3 =	vand.u32 $0x7, v3;
	v4 =	vand.u32 $0xFFFFFFC0, v57  }
0xee: {  	v3 =	vor.u32 v3, v4  }
0xef: {  	v4 =	vperm.xlane v3, v0;
	_ =	sdelay $0x1  }
0xf0: {  	v4 =	vadd.s32 v1, v4;
	_ =	sdelay $0x3  }
0xf1: {  	s24 =	simm.s32 $0xC100  }
0xf2: {  	[tilespmem:s24], [sflag:$0x2] =	stream.indirect_vreg.gather [hbm4b:s1+s3], $0x80, v4, vm0, $0xb8;
	[tilespmem:$0x18100] =	vst v63  }
0xf3: {  	v3 =	vperm.xlane v3, v2;
	s24 =	simm.s32 $0xC900  }
0xf4: {  	[tilespmem:s24], [sflag:$0x2] =	stream.indirect_vreg.gather [hbm4b:s4+s3], $0x80, v4, vm0, $0xb8;
	[tilespmem:$0x18100] =	vst v63  }
0xf5: {  	v3 =	vadd.s32 v1, v3;
	s24 =	simm.s32 $0xD100  }
0xf6: {  	[tilespmem:s24], [sflag:$0x2] =	stream.indirect_vreg.gather [hbm4b:s5+s3], $0x80, v4, vm0, $0xb8;
	[tilespmem:$0x18100] =	vst v63  }
0xf7: {  	s24 =	simm.s32 $0xD900  }
0xf8: {  	[tilespmem:s24], [sflag:$0x2] =	stream.indirect_vreg.gather [hbm4b:s6+s3], $0x80, v4, vm0, $0xb8;
	[tilespmem:$0x18100] =	vst v63  }
0xf9: {  	s24 =	simm.s32 $0xE100  }
0xfa: {  	[tilespmem:s24], [sflag:$0x2] =	stream.indirect_vreg.gather [hbm4b:s1+s3], $0x80, v3, vm0, $0xb8;
	[tilespmem:$0x18100] =	vst v63  }
0xfb: {  	s24 =	simm.s32 $0xE900  }
0xfc: {  	[tilespmem:s24], [sflag:$0x2] =	stream.indirect_vreg.gather [hbm4b:s4+s3], $0x80, v3, vm0, $0xb8;
	[tilespmem:$0x18100] =	vst v63  }
0xfd: {  	s24 =	simm.s32 $0xF100  }
0xfe: {  	[tilespmem:s24], [sflag:$0x2] =	stream.indirect_vreg.gather [hbm4b:s5+s3], $0x80, v3, vm0, $0xb8;
	[tilespmem:$0x18100] =	vst v63  }
0xff: {  	s24 =	simm.s32 $0xF900  }
0x100: {  	[tilespmem:s24], [sflag:$0x2] =	stream.indirect_vreg.gather [hbm4b:s6+s3], $0x80, v3, vm0, $0xb8;
	[tilespmem:$0x18100] =	vst v63  }
0x101: {  	_ =	swait.ge [sflag:s31], $0x8000  }
0x102: {  	[sflag:s31] =	ssyncset.done $0x0  }
0x103: {  	s24 =	rddreg [dreg:$0x7];
	[sflag:s31] =	ssyncadd.s32 $0xFFFF8000  }
0x104: {  	[hbm4b:s24+s3] =	stream.linear.scatter [tilespmem:s2], [sflag:$0x6], $0x8000, $0x38;
	[tilespmem:$0x18100] =	vst v63  }
0x105: {  	_ =	swait.ge [sflag:s23], $0x8000  }
0x106: {  	[sflag:s23] =	ssyncset.done $0x0  }
0x107: {  	[sflag:s23] =	ssyncadd.s32 $0xFFFF8000  }
0x108: {  	v3 =	vld [tilespmem:$0xA0];
	_ =	sdelay $0x4  }
0x109: {  	v58 =	vshll.u32 v3, $0x3  }
0x10a: {  	v3 =	vand.u32 $0x7, v3;
	v4 =	vand.u32 $0xFFFFFFC0, v58  }
0x10b: {  	v3 =	vor.u32 v3, v4  }
0x10c: {  	v4 =	vperm.xlane v3, v0;
	_ =	sdelay $0x1  }
0x10d: {  	v4 =	vadd.s32 v1, v4;
	_ =	sdelay $0x4  }
0x10e: {  	[tilespmem:s2], [sflag:$0x3] =	stream.indirect_vreg.gather [hbm4b:s1+s3], $0x80, v4, vm0, $0xb8;
	[tilespmem:$0x18100] =	vst v63  }
0x10f: {  	v3 =	vperm.xlane v3, v2  }
0x110: {  	[tilespmem:s22], [sflag:$0x3] =	stream.indirect_vreg.gather [hbm4b:s4+s3], $0x80, v4, vm0, $0xb8;
	[tilespmem:$0x18100] =	vst v63  }
0x111: {  	v3 =	vadd.s32 v1, v3  }
0x112: {  	[tilespmem:s8], [sflag:$0x3] =	stream.indirect_vreg.gather [hbm4b:s5+s3], $0x80, v4, vm0, $0xb8;
	[tilespmem:$0x18100] =	vst v63  }
0x113: {  	_ = 	snop  }
0x114: {  	[tilespmem:s9], [sflag:$0x3] =	stream.indirect_vreg.gather [hbm4b:s6+s3], $0x80, v4, vm0, $0xb8;
	[tilespmem:$0x18100] =	vst v63  }
0x115: {  	_ = 	snop  }
0x116: {  	[tilespmem:s10], [sflag:$0x3] =	stream.indirect_vreg.gather [hbm4b:s1+s3], $0x80, v3, vm0, $0xb8;
	[tilespmem:$0x18100] =	vst v63  }
0x117: {  	_ = 	snop  }
0x118: {  	[tilespmem:s11], [sflag:$0x3] =	stream.indirect_vreg.gather [hbm4b:s4+s3], $0x80, v3, vm0, $0xb8;
	[tilespmem:$0x18100] =	vst v63  }
0x119: {  	_ = 	snop  }
0x11a: {  	[tilespmem:s12], [sflag:$0x3] =	stream.indirect_vreg.gather [hbm4b:s5+s3], $0x80, v3, vm0, $0xb8;
	[tilespmem:$0x18100] =	vst v63  }
0x11b: {  	_ = 	snop  }
0x11c: {  	[tilespmem:s13], [sflag:$0x3] =	stream.indirect_vreg.gather [hbm4b:s6+s3], $0x80, v3, vm0, $0xb8;
	[tilespmem:$0x18100] =	vst v63  }
0x11d: {  	v3 =	vld [tilespmem:$0xB0];
	_ =	sdelay $0x4  }
0x11e: {  	v59 =	vshll.u32 v3, $0x3  }
0x11f: {  	v3 =	vand.u32 $0x7, v3;
	v4 =	vand.u32 $0xFFFFFFC0, v59  }
0x120: {  	v3 =	vor.u32 v3, v4  }
0x121: {  	v4 =	vperm.xlane v3, v0;
	_ =	sdelay $0x1  }
0x122: {  	v4 =	vadd.s32 v1, v4;
	_ =	sdelay $0x4  }
0x123: {  	[tilespmem:s14], [sflag:$0x3] =	stream.indirect_vreg.gather [hbm4b:s1+s3], $0x80, v4, vm0, $0xb8;
	[tilespmem:$0x18100] =	vst v63  }
0x124: {  	v3 =	vperm.xlane v3, v2  }
0x125: {  	[tilespmem:s15], [sflag:$0x3] =	stream.indirect_vreg.gather [hbm4b:s4+s3], $0x80, v4, vm0, $0xb8;
	[tilespmem:$0x18100] =	vst v63  }
0x126: {  	v3 =	vadd.s32 v1, v3  }
0x127: {  	[tilespmem:s16], [sflag:$0x3] =	stream.indirect_vreg.gather [hbm4b:s5+s3], $0x80, v4, vm0, $0xb8;
	[tilespmem:$0x18100] =	vst v63  }
0x128: {  	_ = 	snop  }
0x129: {  	[tilespmem:s17], [sflag:$0x3] =	stream.indirect_vreg.gather [hbm4b:s6+s3], $0x80, v4, vm0, $0xb8;
	[tilespmem:$0x18100] =	vst v63  }
0x12a: {  	_ = 	snop  }
0x12b: {  	[tilespmem:s26], [sflag:$0x3] =	stream.indirect_vreg.gather [hbm4b:s1+s3], $0x80, v3, vm0, $0xb8;
	[tilespmem:$0x18100] =	vst v63  }
0x12c: {  	_ = 	snop  }
0x12d: {  	[tilespmem:s28], [sflag:$0x3] =	stream.indirect_vreg.gather [hbm4b:s4+s3], $0x80, v3, vm0, $0xb8;
	[tilespmem:$0x18100] =	vst v63  }
0x12e: {  	_ = 	snop  }
0x12f: {  	[tilespmem:s29], [sflag:$0x3] =	stream.indirect_vreg.gather [hbm4b:s5+s3], $0x80, v3, vm0, $0xb8;
	[tilespmem:$0x18100] =	vst v63  }
0x130: {  	_ = 	snop  }
0x131: {  	[tilespmem:s30], [sflag:$0x3] =	stream.indirect_vreg.gather [hbm4b:s6+s3], $0x80, v3, vm0, $0xb8;
	[tilespmem:$0x18100] =	vst v63  }
0x132: {  	_ =	swait.ge [sflag:s18], $0x8000  }
0x133: {  	[sflag:s18] =	ssyncset.done $0x0  }
0x134: {  	s8 =	rddreg [dreg:$0x8];
	[sflag:s18] =	ssyncadd.s32 $0xFFFF8000  }
0x135: {  	[hbm4b:s8+s3] =	stream.linear.scatter [tilespmem:s25], [sflag:$0x4], $0x8000, $0x38;
	[tilespmem:$0x18100] =	vst v63  }
0x136: {  	_ =	swait.ge [sflag:s19], $0x8000  }
0x137: {  	[sflag:s19] =	ssyncset.done $0x0  }
0x138: {  	[sflag:s19] =	ssyncadd.s32 $0xFFFF8000  }
0x139: {  	v3 =	vld [tilespmem:$0xC0];
	_ =	sdelay $0x4  }
0x13a: {  	v60 =	vshll.u32 v3, $0x3  }
0x13b: {  	v3 =	vand.u32 $0x7, v3;
	v4 =	vand.u32 $0xFFFFFFC0, v60  }
0x13c: {  	v3 =	vor.u32 v3, v4  }
0x13d: {  	v4 =	vperm.xlane v3, v0;
	_ =	sdelay $0x1  }
0x13e: {  	v4 =	vadd.s32 v1, v4;
	_ =	sdelay $0x4  }
0x13f: {  	[tilespmem:s25], [sflag:$0x1] =	stream.indirect_vreg.gather [hbm4b:s1+s3], $0x80, v4, vm0, $0xb8;
	[tilespmem:$0x18100] =	vst v63  }
0x140: {  	s24 =	simm.s32 $0x900;
	v3 =	vperm.xlane v3, v2  }
0x141: {  	[tilespmem:s24], [sflag:$0x1] =	stream.indirect_vreg.gather [hbm4b:s4+s3], $0x80, v4, vm0, $0xb8;
	[tilespmem:$0x18100] =	vst v63  }
0x142: {  	v3 =	vadd.s32 v1, v3;
	s24 =	simm.s32 $0x1100  }
0x143: {  	[tilespmem:s24], [sflag:$0x1] =	stream.indirect_vreg.gather [hbm4b:s5+s3], $0x80, v4, vm0, $0xb8;
	[tilespmem:$0x18100] =	vst v63  }
0x144: {  	s24 =	simm.s32 $0x1900  }
0x145: {  	[tilespmem:s24], [sflag:$0x1] =	stream.indirect_vreg.gather [hbm4b:s6+s3], $0x80, v4, vm0, $0xb8;
	[tilespmem:$0x18100] =	vst v63  }
0x146: {  	s24 =	simm.s32 $0x2100  }
0x147: {  	[tilespmem:s24], [sflag:$0x1] =	stream.indirect_vreg.gather [hbm4b:s1+s3], $0x80, v3, vm0, $0xb8;
	[tilespmem:$0x18100] =	vst v63  }
0x148: {  	s24 =	simm.s32 $0x2900  }
0x149: {  	[tilespmem:s24], [sflag:$0x1] =	stream.indirect_vreg.gather [hbm4b:s4+s3], $0x80, v3, vm0, $0xb8;
	[tilespmem:$0x18100] =	vst v63  }
0x14a: {  	s24 =	simm.s32 $0x3100  }
0x14b: {  	[tilespmem:s24], [sflag:$0x1] =	stream.indirect_vreg.gather [hbm4b:s5+s3], $0x80, v3, vm0, $0xb8;
	[tilespmem:$0x18100] =	vst v63  }
0x14c: {  	s24 =	simm.s32 $0x3900  }
0x14d: {  	[tilespmem:s24], [sflag:$0x1] =	stream.indirect_vreg.gather [hbm4b:s6+s3], $0x80, v3, vm0, $0xb8;
	[tilespmem:$0x18100] =	vst v63  }
0x14e: {  	v3 =	vld [tilespmem:$0xD0];
	_ =	sdelay $0x4  }
0x14f: {  	v61 =	vshll.u32 v3, $0x3  }
0x150: {  	v3 =	vand.u32 $0x7, v3;
	v4 =	vand.u32 $0xFFFFFFC0, v61  }
0x151: {  	v3 =	vor.u32 v3, v4  }
0x152: {  	v4 =	vperm.xlane v3, v0;
	_ =	sdelay $0x1  }
0x153: {  	v4 =	vadd.s32 v1, v4;
	_ =	sdelay $0x3  }
0x154: {  	s24 =	simm.s32 $0x4100  }
0x155: {  	[tilespmem:s24], [sflag:$0x1] =	stream.indirect_vreg.gather [hbm4b:s1+s3], $0x80, v4, vm0, $0xb8;
	[tilespmem:$0x18100] =	vst v63  }
0x156: {  	v3 =	vperm.xlane v3, v2;
	s24 =	simm.s32 $0x4900  }
0x157: {  	[tilespmem:s24], [sflag:$0x1] =	stream.indirect_vreg.gather [hbm4b:s4+s3], $0x80, v4, vm0, $0xb8;
	[tilespmem:$0x18100] =	vst v63  }
0x158: {  	v3 =	vadd.s32 v1, v3;
	s24 =	simm.s32 $0x5100  }
0x159: {  	[tilespmem:s24], [sflag:$0x1] =	stream.indirect_vreg.gather [hbm4b:s5+s3], $0x80, v4, vm0, $0xb8;
	[tilespmem:$0x18100] =	vst v63  }
0x15a: {  	s24 =	simm.s32 $0x5900  }
0x15b: {  	[tilespmem:s24], [sflag:$0x1] =	stream.indirect_vreg.gather [hbm4b:s6+s3], $0x80, v4, vm0, $0xb8;
	[tilespmem:$0x18100] =	vst v63  }
0x15c: {  	s24 =	simm.s32 $0x6100  }
0x15d: {  	[tilespmem:s24], [sflag:$0x1] =	stream.indirect_vreg.gather [hbm4b:s1+s3], $0x80, v3, vm0, $0xb8;
	[tilespmem:$0x18100] =	vst v63  }
0x15e: {  	s24 =	simm.s32 $0x6900  }
0x15f: {  	[tilespmem:s24], [sflag:$0x1] =	stream.indirect_vreg.gather [hbm4b:s4+s3], $0x80, v3, vm0, $0xb8;
	[tilespmem:$0x18100] =	vst v63  }
0x160: {  	s24 =	simm.s32 $0x7100  }
0x161: {  	[tilespmem:s24], [sflag:$0x1] =	stream.indirect_vreg.gather [hbm4b:s5+s3], $0x80, v3, vm0, $0xb8;
	[tilespmem:$0x18100] =	vst v63  }
0x162: {  	s24 =	simm.s32 $0x7900  }
0x163: {  	[tilespmem:s24], [sflag:$0x1] =	stream.indirect_vreg.gather [hbm4b:s6+s3], $0x80, v3, vm0, $0xb8;
	[tilespmem:$0x18100] =	vst v63  }
0x164: {  	_ =	swait.ge [sflag:s20], $0x8000  }
0x165: {  	[sflag:s20] =	ssyncset.done $0x0  }
0x166: {  	s8 =	rddreg [dreg:$0x9];
	[sflag:s20] =	ssyncadd.s32 $0xFFFF8000  }
0x167: {  	[hbm4b:s8+s3] =	stream.linear.scatter [tilespmem:s0], [sflag:$0x5], $0x8000, $0x38;
	[tilespmem:$0x18100] =	vst v63  }
0x168: {  	_ =	swait.ge [sflag:s21], $0x8000  }
0x169: {  	[sflag:s21] =	ssyncset.done $0x0  }
0x16a: {  	[sflag:s21] =	ssyncadd.s32 $0xFFFF8000  }
0x16b: {  	v3 =	vld [tilespmem:$0xE0];
	_ =	sdelay $0x4  }
0x16c: {  	v62 =	vshll.u32 v3, $0x3  }
0x16d: {  	v3 =	vand.u32 $0x7, v3;
	v4 =	vand.u32 $0xFFFFFFC0, v62  }
0x16e: {  	v3 =	vor.u32 v3, v4  }
0x16f: {  	v4 =	vperm.xlane v3, v0;
	_ =	sdelay $0x1  }
0x170: {  	v4 =	vadd.s32 v1, v4;
	_ =	sdelay $0x4  }
0x171: {  	[tilespmem:s0], [sflag:$0x2] =	stream.indirect_vreg.gather [hbm4b:s1+s3], $0x80, v4, vm0, $0xb8;
	[tilespmem:$0x18100] =	vst v63  }
0x172: {  	s24 =	simm.s32 $0x8900;
	v3 =	vperm.xlane v3, v2  }
0x173: {  	[tilespmem:s24], [sflag:$0x2] =	stream.indirect_vreg.gather [hbm4b:s4+s3], $0x80, v4, vm0, $0xb8;
	[tilespmem:$0x18100] =	vst v63  }
0x174: {  	v3 =	vadd.s32 v1, v3;
	s24 =	simm.s32 $0x9100  }
0x175: {  	[tilespmem:s24], [sflag:$0x2] =	stream.indirect_vreg.gather [hbm4b:s5+s3], $0x80, v4, vm0, $0xb8;
	[tilespmem:$0x18100] =	vst v63  }
0x176: {  	s24 =	simm.s32 $0x9900  }
0x177: {  	[tilespmem:s24], [sflag:$0x2] =	stream.indirect_vreg.gather [hbm4b:s6+s3], $0x80, v4, vm0, $0xb8;
	[tilespmem:$0x18100] =	vst v63  }
0x178: {  	s24 =	simm.s32 $0xA100  }
0x179: {  	[tilespmem:s24], [sflag:$0x2] =	stream.indirect_vreg.gather [hbm4b:s1+s3], $0x80, v3, vm0, $0xb8;
	[tilespmem:$0x18100] =	vst v63  }
0x17a: {  	s24 =	simm.s32 $0xA900  }
0x17b: {  	[tilespmem:s24], [sflag:$0x2] =	stream.indirect_vreg.gather [hbm4b:s4+s3], $0x80, v3, vm0, $0xb8;
	[tilespmem:$0x18100] =	vst v63  }
0x17c: {  	s24 =	simm.s32 $0xB100  }
0x17d: {  	[tilespmem:s24], [sflag:$0x2] =	stream.indirect_vreg.gather [hbm4b:s5+s3], $0x80, v3, vm0, $0xb8;
	[tilespmem:$0x18100] =	vst v63  }
0x17e: {  	s24 =	simm.s32 $0xB900  }
0x17f: {  	[tilespmem:s24], [sflag:$0x2] =	stream.indirect_vreg.gather [hbm4b:s6+s3], $0x80, v3, vm0, $0xb8;
	[tilespmem:$0x18100] =	vst v63  }
0x180: {  	v3 =	vld [tilespmem:$0xF0];
	_ =	sdelay $0x4  }
0x181: {  	v63 =	vshll.u32 v3, $0x3  }
0x182: {  	v3 =	vand.u32 $0x7, v3;
	v4 =	vand.u32 $0xFFFFFFC0, v63  }
0x183: {  	v3 =	vor.u32 v3, v4  }
0x184: {  	v4 =	vperm.xlane v3, v0;
	_ =	sdelay $0x1  }
0x185: {  	v4 =	vadd.s32 v1, v4;
	_ =	sdelay $0x3  }
0x186: {  	s24 =	simm.s32 $0xC100  }
0x187: {  	[tilespmem:s24], [sflag:$0x2] =	stream.indirect_vreg.gather [hbm4b:s1+s3], $0x80, v4, vm0, $0xb8;
	[tilespmem:$0x18100] =	vst v63  }
0x188: {  	v3 =	vperm.xlane v3, v2;
	s24 =	simm.s32 $0xC900  }
0x189: {  	[tilespmem:s24], [sflag:$0x2] =	stream.indirect_vreg.gather [hbm4b:s4+s3], $0x80, v4, vm0, $0xb8;
	[tilespmem:$0x18100] =	vst v63  }
0x18a: {  	v3 =	vadd.s32 v1, v3;
	s24 =	simm.s32 $0xD100  }
0x18b: {  	[tilespmem:s24], [sflag:$0x2] =	stream.indirect_vreg.gather [hbm4b:s5+s3], $0x80, v4, vm0, $0xb8;
	[tilespmem:$0x18100] =	vst v63  }
0x18c: {  	s24 =	simm.s32 $0xD900  }
0x18d: {  	[tilespmem:s24], [sflag:$0x2] =	stream.indirect_vreg.gather [hbm4b:s6+s3], $0x80, v4, vm0, $0xb8;
	[tilespmem:$0x18100] =	vst v63  }
0x18e: {  	s24 =	simm.s32 $0xE100  }
0x18f: {  	[tilespmem:s24], [sflag:$0x2] =	stream.indirect_vreg.gather [hbm4b:s1+s3], $0x80, v3, vm0, $0xb8;
	[tilespmem:$0x18100] =	vst v63  }
0x190: {  	s24 =	simm.s32 $0xE900  }
0x191: {  	[tilespmem:s24], [sflag:$0x2] =	stream.indirect_vreg.gather [hbm4b:s4+s3], $0x80, v3, vm0, $0xb8;
	[tilespmem:$0x18100] =	vst v63  }
0x192: {  	s24 =	simm.s32 $0xF100  }
0x193: {  	[tilespmem:s24], [sflag:$0x2] =	stream.indirect_vreg.gather [hbm4b:s5+s3], $0x80, v3, vm0, $0xb8;
	[tilespmem:$0x18100] =	vst v63  }
0x194: {  	s24 =	simm.s32 $0xF900  }
0x195: {  	[tilespmem:s24], [sflag:$0x2] =	stream.indirect_vreg.gather [hbm4b:s6+s3], $0x80, v3, vm0, $0xb8;
	[tilespmem:$0x18100] =	vst v63  }
0x196: {  	_ =	swait.ge [sflag:s31], $0x8000  }
0x197: {  	[sflag:s31] =	ssyncset.done $0x0  }
0x198: {  	s8 =	rddreg [dreg:$0xa];
	[sflag:s31] =	ssyncadd.s32 $0xFFFF8000  }
0x199: {  	[hbm4b:s8+s3] =	stream.linear.scatter [tilespmem:s2], [sflag:$0x6], $0x8000, $0x38;
	[tilespmem:$0x18100] =	vst v63  }
0x19a: {  	_ =	swait.ge [sflag:s18], $0x8000  }
0x19b: {  	[sflag:s18] =	ssyncset.done $0x0  }
0x19c: {  	s2 =	rddreg [dreg:$0xb];
	[sflag:s18] =	ssyncadd.s32 $0xFFFF8000  }
0x19d: {  	[hbm4b:s2+s3] =	stream.linear.scatter [tilespmem:s25], [sflag:$0x4], $0x8000, $0x38;
	[tilespmem:$0x18100] =	vst v63  }
0x19e: {  	_ =	swait.ge [sflag:s20], $0x8000  }
0x19f: {  	[sflag:s20] =	ssyncset.done $0x0  }
0x1a0: {  	s8 =	rddreg [dreg:$0xc];
	[sflag:s20] =	ssyncadd.s32 $0xFFFF8000  }
0x1a1: {  	[hbm4b:s8+s3] =	stream.linear.scatter [tilespmem:s0], [sflag:$0x5], $0x8000, $0x38;
	[tilespmem:$0x18100] =	vst v63  }
0x1a2: {  	_ =	swait.ge [sflag:s23], $0x8000  }
0x1a3: {  	[sflag:s23] =	ssyncset.done $0x0  }
0x1a4: {  	[sflag:s23] =	ssyncadd.s32 $0xFFFF8000  }
0x1a5: {  	p0 =	sne.s32 s7, $0x1;
	_ =	swait.ge [sflag:s19], $0x8000  }
.Ltmp0:
0x1a6: {  	[sflag:s19] =	ssyncset.done $0x0;
	(pc) =	sbr.rel @p0 .LBB2_1-.Ltmp0, $4  }
0x1a7: {  	[sflag:s19] =	ssyncadd.s32 $0xFFFF8000  }
0x1a8: {  	_ =	swait.ge [sflag:s21], $0x8000  }
0x1a9: {  	[sflag:s21] =	ssyncset.done $0x0  }
0x1aa: {  	s7 =	sadd.s32 $0xFFFFFFFF, s7;
	[sflag:s21] =	ssyncadd.s32 $0xFFFF8000  }
0x1ab: {  	_ =	sfence.sel $0x180000  }
0x1ac: {  	[bflag:$0x0] =	sbarrier.arrive $0xFFFF  }
0x1ad: {  	_ =	strace $0x90000047  }
0x1ae: {  	s0 =	stileid.u32;
	[bflag:$0x2] =	sbarrier.arrive $0xFFFF  }
0x1af: {  	p0 =	sne.s32 s0, $0x0;
	s0 =	rddreg [dreg:$0x3]  }
0x1b0: {  	s0 =	sadd.s32 @!p0 $0x100000, s0  }
0x1b1: {  	[sflag:s0] =	ssyncadd.tile.s32 @!p0 $0x1;
	_ =	shalt  }
.Lfunc_end2:
_tile_overlayer_lowered:
.L_overlay_start_2:
0x1b2: {  	(tag) =	ssettag $0x2  }
0x1b3: {  	s0 =	rddreg [dreg:$0x0];
	s2 =	stileid.u32  }
0x1b4: {  	s1 =	rddreg [dreg:$0x1];
	p0 =	sne.s32 s2, $0x0  }
0x1b5: {  	s3 =	rddreg [dreg:$0x2];
	[bflag:$0x3] =	sbarrier.arrive $0xFFFF;
	s2 =	simm.s32 @!p0 $0x1C07  }
0x1b6: {  	[timem:s3], [sflag:s2] =	dma.local @!p0 [hbm:s0], s1  }
0x1b7: {  	s0 =	simm.s32 @!p0 $0x7  }
0x1b8: {  	_ =	swait.ge @!p0 [sflag:s0], s1  }
0x1b9: {  	s1 =	ssub.s32 @!p0 $0x0, s1;
	[sflag:s0] =	ssyncset.done @!p0 $0x0  }
0x1ba: {  	[sflag:s0] =	ssyncadd.s32 @!p0 s1  }
0x1bb: {  	[bflag:$0x3] =	sbarrier.arrive $0xFFFF  }
0x1bc: {  	_ =	shalt  }

</sc_bundles>
